<compile_context>
chip_gen: v7x
topology: tpu7x:2x2x1
jax: 0.10.2.dev20260603
libtpu: 0.0.44.dev20260713+nightly
codegen_flags: <defaults>
</compile_context>

<pallas_src>
import jax
import jax.numpy as jnp
from jax import lax
from jax.experimental import pallas as pl
from jax.experimental.pallas import tpu as pltpu
from jax.experimental.pallas import tpu_sc as plsc

N = 10000
NPAD = 10240
E = 320000
D = 128
H = 128
G = 64
OUT = 2

NC = 2
NS = 16
NW = NC * NS
EPW = E // NW
CHUNK = 80
NCHUNKS = EPW // CHUNK
RPT = NPAD // NS

_MESH = plsc.VectorSubcoreMesh(core_axis_name="c", subcore_axis_name="s")


def _unpack_chunk(packed_v, j, src_q, dst_q):
    for k in range(CHUNK // 16):
        p = packed_v[j, pl.ds(k * 16, 16)]
        src_q[pl.ds(k * 16, 16)] = jnp.bitwise_and(p, 16383)
        dst_q[pl.ds(k * 16, 16)] = lax.shift_right_logical(p, 14)


def _sc_aggregate_body(x_hbm, packed_hbm, z128_hbm,
                       sums_hbm,
                       acc_sh, packed_v, srcq0, dstq0, srcq1, dstq1,
                       rows0_v, rows1_v, sem0, sem1):
    cid = lax.axis_index("c")
    sid = lax.axis_index("s")
    wid = cid * NS + sid
    rbase = sid * RPT

    pltpu.sync_copy(z128_hbm, acc_sh.at[pl.ds(rbase, RPT)])
    pltpu.sync_copy(packed_hbm.at[wid], packed_v)
    plsc.subcore_barrier()

    _unpack_chunk(packed_v, 0, srcq0, dstq0)
    pltpu.async_copy(x_hbm.at[srcq0], rows0_v, sem0)

    def pair(jj, carry):
        j = 2 * jj
        _unpack_chunk(packed_v, j + 1, srcq1, dstq1)
        pltpu.async_copy(x_hbm.at[srcq1], rows1_v, sem1)
        pltpu.make_async_copy(x_hbm.at[srcq0], rows0_v, sem0).wait()
        pltpu.sync_copy(rows0_v, acc_sh.at[dstq0], add=True)
        _unpack_chunk(packed_v, j + 2, srcq0, dstq0)
        pltpu.async_copy(x_hbm.at[srcq0], rows0_v, sem0)
        pltpu.make_async_copy(x_hbm.at[srcq1], rows1_v, sem1).wait()
        pltpu.sync_copy(rows1_v, acc_sh.at[dstq1], add=True)
        return carry

    lax.fori_loop(0, NCHUNKS // 2, pair, 0)
    pltpu.make_async_copy(x_hbm.at[srcq0], rows0_v, sem0).wait()
    pltpu.sync_copy(rows0_v, acc_sh.at[dstq0], add=True)
    plsc.subcore_barrier()

    pltpu.sync_copy(acc_sh.at[pl.ds(rbase, RPT)],
                    sums_hbm.at[cid, pl.ds(rbase, RPT)])


_sc_aggregate = pl.kernel(
    _sc_aggregate_body,
    out_type=jax.ShapeDtypeStruct((NC, NPAD, D), jnp.float32),
    mesh=_MESH,
    scratch_types=[
        pltpu.MemorySpace.VMEM_SHARED((NPAD, D), jnp.float32),
        pltpu.VMEM((NCHUNKS, CHUNK), jnp.int32),
        pltpu.VMEM((CHUNK,), jnp.int32),
        pltpu.VMEM((CHUNK,), jnp.int32),
        pltpu.VMEM((CHUNK,), jnp.int32),
        pltpu.VMEM((CHUNK,), jnp.int32),
        pltpu.VMEM((CHUNK, D), jnp.float32),
        pltpu.VMEM((CHUNK, D), jnp.float32),
        pltpu.SemaphoreType.DMA,
        pltpu.SemaphoreType.DMA,
    ],
)


ECB = 2048
EPADC = 160 * ECB
NHI = NPAD // 128


def _cnt_body(dstr_ref, out_ref, acc_ref):
    i = pl.program_id(0)
    nblk = pl.num_programs(0)

    @pl.when(i == 0)
    def _():
        acc_ref[...] = jnp.zeros((NHI, 128), jnp.float32)

    d = dstr_ref[0]
    hi = lax.shift_right_logical(d, 7)
    lo = jnp.bitwise_and(d, 127)
    ihi = lax.broadcasted_iota(jnp.int32, (NHI, ECB), 0)
    ilo = lax.broadcasted_iota(jnp.int32, (128, ECB), 0)
    oh_hi = jnp.where(ihi == hi, 1.0, 0.0).astype(jnp.bfloat16)
    oh_loT = jnp.where(ilo == lo, 1.0, 0.0).astype(jnp.bfloat16)
    acc_ref[...] += lax.dot_general(
        oh_hi, oh_loT, (((1,), (1,)), ((), ())),
        preferred_element_type=jnp.float32)

    @pl.when(i == nblk - 1)
    def _():
        out_ref[...] = acc_ref[...]


def _tc_counts(dst):
    dstp = jnp.concatenate(
        [dst, jnp.full((EPADC - E,), NPAD - 1, jnp.int32)])
    dstr = dstp.reshape(160, 1, ECB)
    cnt2d = pl.pallas_call(
        _cnt_body,
        grid=(160,),
        in_specs=[
            pl.BlockSpec((1, 1, ECB), lambda i: (i, 0, 0)),
        ],
        out_specs=pl.BlockSpec((NHI, 128), lambda i: (0, 0)),
        out_shape=jax.ShapeDtypeStruct((NHI, 128), jnp.float32),
        scratch_shapes=[pltpu.VMEM((NHI, 128), jnp.float32)],
    )(dstr)
    return cnt2d.reshape(NPAD, 1)


def _layer_body(sp_ref, cnt_ref, wt_ref, b_ref, out_ref):
    s = sp_ref[0] + sp_ref[1]
    c = cnt_ref[...]
    mean = s / jnp.maximum(c, 1.0)
    h = jnp.dot(mean, wt_ref[...], preferred_element_type=jnp.float32)
    h = h + b_ref[...]
    h = jnp.where(c > 0.0, h, 0.0)
    out_ref[...] = jnp.maximum(h, 0.0)


def _layer(sums, cnts, wt, b, rows):
    nblk = NPAD // rows
    return pl.pallas_call(
        _layer_body,
        grid=(nblk,),
        in_specs=[
            pl.BlockSpec((NC, rows, D), lambda i: (0, i, 0)),
            pl.BlockSpec((rows, 1), lambda i: (i, 0)),
            pl.BlockSpec((D, H), lambda i: (0, 0)),
            pl.BlockSpec((1, H), lambda i: (0, 0)),
        ],
        out_specs=pl.BlockSpec((rows, H), lambda i: (i, 0)),
        out_shape=jax.ShapeDtypeStruct((NPAD, H), jnp.float32),
    )(sums, cnts, wt, b)


_NEG = -3.4e38


def _final_body(sp_ref, cnt_ref, batch_ref, wt2_ref, b2_ref,
                wtf1_ref, bf1_ref, wtf2_ref, bf2_ref,
                out_ref, pooled_ref):
    i = pl.program_id(0)
    nblk = pl.num_programs(0)

    @pl.when(i == 0)
    def _():
        pooled_ref[...] = jnp.full((G + 8, H), _NEG, jnp.float32)

    s = sp_ref[0] + sp_ref[1]
    c = cnt_ref[...]
    mean = s / jnp.maximum(c, 1.0)
    h = jnp.dot(mean, wt2_ref[...], preferred_element_type=jnp.float32)
    h = h + b2_ref[...]
    h = jnp.where(c > 0.0, h, 0.0)
    h = jnp.maximum(h, 0.0)

    b = batch_ref[...]
    g_lo = jnp.min(b)
    g_hi = jnp.max(b)

    def seg(g, carry):
        m = (b == g)
        contrib = jnp.max(jnp.where(m, h, _NEG), axis=0, keepdims=True)
        cur = pooled_ref[pl.ds(g, 1), :]
        pooled_ref[pl.ds(g, 1), :] = jnp.maximum(cur, contrib)
        return carry

    lax.fori_loop(g_lo, g_hi + 1, seg, 0)

    @pl.when(i == nblk - 1)
    def _():
        pooled = pooled_ref[0:G, :]
        z = jnp.dot(pooled, wtf1_ref[...], preferred_element_type=jnp.float32)
        z = jnp.maximum(z + bf1_ref[...], 0.0)
        logits = jnp.dot(z, wtf2_ref[...], preferred_element_type=jnp.float32)
        logits = logits + bf2_ref[...]
        l0 = logits[:, 0:1]
        l1 = logits[:, 1:2]
        m = jnp.maximum(l0, l1)
        lse = m + jnp.log(jnp.exp(l0 - m) + jnp.exp(l1 - m))
        out_ref[...] = logits - lse


def _final(sums, cnts, batch2d, wt2, b2, wtf1, bf1, wtf2, bf2, rows):
    nblk = NPAD // rows
    full = lambda i: (0, 0)
    return pl.pallas_call(
        _final_body,
        grid=(nblk,),
        in_specs=[
            pl.BlockSpec((NC, rows, D), lambda i: (0, i, 0)),
            pl.BlockSpec((rows, 1), lambda i: (i, 0)),
            pl.BlockSpec((rows, 1), lambda i: (i, 0)),
            pl.BlockSpec((H, H), full),
            pl.BlockSpec((1, H), full),
            pl.BlockSpec((H, H), full),
            pl.BlockSpec((1, H), full),
            pl.BlockSpec((H, H), full),
            pl.BlockSpec((1, H), full),
        ],
        out_specs=pl.BlockSpec((G, H), lambda i: (0, 0)),
        out_shape=jax.ShapeDtypeStruct((G, H), jnp.float32),
        scratch_shapes=[pltpu.VMEM((G + 8, H), jnp.float32)],
    )(sums, cnts, batch2d, wt2, b2, wtf1, bf1, wtf2, bf2)


def kernel(x, edge_index, batch, W1, b1, W2, b2, Wf1, bf1, Wf2, bf2):
    packed = (jnp.left_shift(edge_index[1], 14) | edge_index[0]
              ).reshape(NW, NCHUNKS, CHUNK)
    z128 = jnp.zeros((RPT, D), jnp.float32)

    cnts = _tc_counts(edge_index[1])
    sums1 = _sc_aggregate(x, packed, z128)
    h1 = _layer(sums1, cnts, W1.T, b1.reshape(1, H), rows=1024)
    sums2 = _sc_aggregate(h1, packed, z128)
    wtf2 = jnp.zeros((H, H), jnp.float32).at[:, :OUT].set(Wf2.T)
    bf2p = jnp.zeros((1, H), jnp.float32).at[0, :OUT].set(bf2)
    batchp = jnp.concatenate([batch, jnp.full((NPAD - N,), G, jnp.int32)])
    res = _final(sums2, cnts, batchp.reshape(NPAD, 1), W2.T, b2.reshape(1, H),
                 Wf1.T, bf1.reshape(1, H), wtf2, bf2p, rows=1024)
    return res[:, :OUT]

# --- scband reference (transcript-rebuilt; emitter-appended) ---
"""Pipeline reference for scband-basic-gnn-36541581754794 (READ-ONLY COPY).

The authoritative reference and input builder live on the scoring server;
editing this copy changes nothing except your own understanding.
"""

import jax, jax.numpy as jnp
import numpy as np

N = 10000
E = 320000
D = 128
H = 128
G = 64
OUT = 2


def setup_inputs(seed: int = 0) -> dict:
    key = jax.random.key(seed)
    ks = jax.random.split(key, 12)
    x = jax.random.normal(ks[0], (N, D), dtype=jnp.float32)
    edge_index = jax.random.randint(ks[1], (2, E), 0, N, dtype=jnp.int32)
    batch = jnp.sort(jax.random.randint(ks[2], (N,), 0, G, dtype=jnp.int32))
    s1 = 1.0 / np.sqrt(D)
    s2 = 1.0 / np.sqrt(H)
    W1 = jax.random.uniform(ks[3], (H, D), jnp.float32, -s1, s1)
    b1 = jax.random.uniform(ks[4], (H,), jnp.float32, -s1, s1)
    W2 = jax.random.uniform(ks[5], (H, H), jnp.float32, -s2, s2)
    b2 = jax.random.uniform(ks[6], (H,), jnp.float32, -s2, s2)
    Wf1 = jax.random.uniform(ks[7], (H, H), jnp.float32, -s2, s2)
    bf1 = jax.random.uniform(ks[8], (H,), jnp.float32, -s2, s2)
    Wf2 = jax.random.uniform(ks[9], (OUT, H), jnp.float32, -s2, s2)
    bf2 = jax.random.uniform(ks[10], (OUT,), jnp.float32, -s2, s2)
    return {"x": x, "edge_index": edge_index, "batch": batch,
            "W1": W1, "b1": b1, "W2": W2, "b2": b2,
            "Wf1": Wf1, "bf1": bf1, "Wf2": Wf2, "bf2": bf2}


def _conv(x, edge_index, W, b):
    src = edge_index[0]
    dst = edge_index[1]
    msg = x[src] @ W.T + b  # message: lin(x_j)
    summed = jax.ops.segment_sum(msg, dst, num_segments=N)
    cnt = jax.ops.segment_sum(jnp.ones((E,), jnp.float32), dst, num_segments=N)
    return summed / jnp.clip(cnt, 1.0)[:, None]  # aggr='mean'


def reference(x, edge_index, batch, W1, b1, W2, b2, Wf1, bf1, Wf2, bf2):
    h = jax.nn.relu(_conv(x, edge_index, W1, b1))
    h = jax.nn.relu(_conv(h, edge_index, W2, b2))
    pooled = jax.ops.segment_max(h, batch, num_segments=G)  # global_max_pool
    z = jax.nn.relu(pooled @ Wf1.T + bf1)  # dropout is identity in eval
    logits = z @ Wf2.T + bf2
    return jax.nn.log_softmax(logits, axis=1)

if __name__ == "__main__":
    import jax
    _d = setup_inputs()
    print(jax.jit(kernel)(*tuple(_d.values())))

</pallas_src>

<mosaic_0001>
#map = affine_map<(d0, d1) -> (0, 0)>
#map1 = affine_map<(d0, d1) -> (0, 0, 0)>
module attributes {stable_mosaic.version = 14 : i64} {
  func.func @_sc_aggregate_body(%arg0: i32, %arg1: i32, %arg2: memref<10240x128xf32, #tpu.memory_space<hbm>>, %arg3: memref<32x125x80xi32, #tpu.memory_space<hbm>>, %arg4: memref<640x128xf32, #tpu.memory_space<hbm>>, %arg5: memref<2x10240x128xf32, #tpu.memory_space<hbm>>, %arg6: memref<10240x128xf32, #tpu.memory_space<vmem_shared>>, %arg7: memref<125x80xi32, #tpu.memory_space<vmem>>, %arg8: memref<80xi32, #tpu.memory_space<vmem>>, %arg9: memref<80xi32, #tpu.memory_space<vmem>>, %arg10: memref<80xi32, #tpu.memory_space<vmem>>, %arg11: memref<80xi32, #tpu.memory_space<vmem>>, %arg12: memref<80x128xf32, #tpu.memory_space<vmem>>, %arg13: memref<80x128xf32, #tpu.memory_space<vmem>>, %arg14: memref<!tpu.dma_semaphore, #tpu.memory_space<semaphore_mem>>, %arg15: memref<!tpu.dma_semaphore, #tpu.memory_space<semaphore_mem>>) attributes {dimension_semantics = [#tpu.dimension_semantics<core_parallel>, #tpu.dimension_semantics<subcore_parallel>], iteration_bounds = array<i64: 2, 16>, scalar_prefetch = 0 : i64, scratch_operands = 10 : i64, tpu.core_type = #tpu.core_type<sc_vector_subcore>, window_params = [{transform_indices = #map}, {transform_indices = #map1}, {transform_indices = #map}, {transform_indices = #map1}]} {
    %mul3A = arith.constant 16 : i32
    %mul3A_0 = arith.muli %arg0, %mul3A : i32
    %add3A = arith.addi %mul3A_0, %arg1 : i32
    %mul3A_1 = arith.constant 640 : i32
    %mul3A_2 = arith.muli %arg1, %mul3A_1 : i32
    "tpu.region"() ({
      %run_scoped3A = tpu.sem_alloc : memref<!tpu.dma_semaphore, #tpu.memory_space<semaphore_mem>>
      %dma_start3A_104 = arith.constant 0 : i32
      %dma_start3A_105 = tpu.memref_slice %arg6[%mul3A_2, %dma_start3A_104] : memref<10240x128xf32, #tpu.memory_space<vmem_shared>> -> memref<640x128xf32, #tpu.memory_space<vmem_shared>>
      tpu.enqueue_dma source(%arg4 : memref<640x128xf32, #tpu.memory_space<hbm>>) target(%dma_start3A_105 : memref<640x128xf32, #tpu.memory_space<vmem_shared>>) target_semaphore(%run_scoped3A : memref<!tpu.dma_semaphore, #tpu.memory_space<semaphore_mem>>)
      %dma_wait3A_106 = arith.constant 0 : i32
      %dma_wait3A_107 = tpu.memref_slice %arg6[%mul3A_2, %dma_wait3A_106] : memref<10240x128xf32, #tpu.memory_space<vmem_shared>> -> memref<640x128xf32, #tpu.memory_space<vmem_shared>>
      tpu.wait_dma2 semaphore(%run_scoped3A : memref<!tpu.dma_semaphore, #tpu.memory_space<semaphore_mem>>) src(%arg4 : memref<640x128xf32, #tpu.memory_space<hbm>>) dst(%dma_wait3A_107 : memref<640x128xf32, #tpu.memory_space<vmem_shared>>)
      tpu.yield
    }) : () -> ()
    "tpu.region"() ({
      %run_scoped3A = tpu.sem_alloc : memref<!tpu.dma_semaphore, #tpu.memory_space<semaphore_mem>>
      %dma_start3A_104 = arith.constant 0 : i32
      %dma_start3A_105 = arith.constant 0 : i32
      %dma_start3A_106 = tpu.memref_slice %arg3[%add3A, %dma_start3A_104, %dma_start3A_105] : memref<32x125x80xi32, #tpu.memory_space<hbm>> -> memref<1x125x80xi32, #tpu.memory_space<hbm>>
      %dma_start3A_107 = tpu.memref_squeeze %dma_start3A_106 : memref<1x125x80xi32, #tpu.memory_space<hbm>> -> memref<125x80xi32, #tpu.memory_space<hbm>>
      %dma_start3A_108 = arith.constant 0 : i32
      %dma_start3A_109 = arith.constant 0 : i32
      %dma_start3A_110 = tpu.memref_slice %arg3[%add3A, %dma_start3A_108, %dma_start3A_109] : memref<32x125x80xi32, #tpu.memory_space<hbm>> -> memref<1x125x80xi32, #tpu.memory_space<hbm>>
      %dma_start3A_111 = tpu.memref_squeeze %dma_start3A_110 : memref<1x125x80xi32, #tpu.memory_space<hbm>> -> memref<125x80xi32, #tpu.memory_space<hbm>>
      tpu.enqueue_dma source(%dma_start3A_111 : memref<125x80xi32, #tpu.memory_space<hbm>>) target(%arg7 : memref<125x80xi32, #tpu.memory_space<vmem>>) target_semaphore(%run_scoped3A : memref<!tpu.dma_semaphore, #tpu.memory_space<semaphore_mem>>)
      %dma_wait3A_112 = arith.constant 0 : i32
      %dma_wait3A_113 = arith.constant 0 : i32
      %dma_wait3A_114 = tpu.memref_slice %arg3[%add3A, %dma_wait3A_112, %dma_wait3A_113] : memref<32x125x80xi32, #tpu.memory_space<hbm>> -> memref<1x125x80xi32, #tpu.memory_space<hbm>>
      %dma_wait3A_115 = tpu.memref_squeeze %dma_wait3A_114 : memref<1x125x80xi32, #tpu.memory_space<hbm>> -> memref<125x80xi32, #tpu.memory_space<hbm>>
      %dma_wait3A_116 = arith.constant 0 : i32
      %dma_wait3A_117 = arith.constant 0 : i32
      %dma_wait3A_118 = tpu.memref_slice %arg3[%add3A, %dma_wait3A_116, %dma_wait3A_117] : memref<32x125x80xi32, #tpu.memory_space<hbm>> -> memref<1x125x80xi32, #tpu.memory_space<hbm>>
      %dma_wait3A_119 = tpu.memref_squeeze %dma_wait3A_118 : memref<1x125x80xi32, #tpu.memory_space<hbm>> -> memref<125x80xi32, #tpu.memory_space<hbm>>
      tpu.wait_dma2 semaphore(%run_scoped3A : memref<!tpu.dma_semaphore, #tpu.memory_space<semaphore_mem>>) src(%dma_wait3A_119 : memref<125x80xi32, #tpu.memory_space<hbm>>) dst(%arg7 : memref<125x80xi32, #tpu.memory_space<vmem>>)
      tpu.yield
    }) : () -> ()
    %barrier3A = arith.constant 0 : index
    tpu.barrier barrier_id(%barrier3A)
    %get3A = arith.constant 0 : i32
    %get3A_3 = arith.index_cast %get3A : i32 to index
    %get3A_4 = arith.constant 0 : index
    %get3A_5 = tpu.vector_load %arg7[%get3A_3, %get3A_4] {strides = array<i32>} : memref<125x80xi32, #tpu.memory_space<vmem>>, vector<1x16xi32>,
    %get3A_6 = vector.shape_cast %get3A_5 : vector<1x16xi32> to vector<16xi32>
    %and3A = arith.constant 16383 : i32
    %and3A_7 = vector.broadcast %and3A : i32 to vector<16xi32>
    %and3A_8 = arith.andi %get3A_6, %and3A_7 : vector<16xi32>
    %swap3A = arith.constant 0 : index
    %swap3A_9 = tpu.vector_load %arg8[%swap3A] {strides = array<i32>} : memref<80xi32, #tpu.memory_space<vmem>>, vector<16xi32>,
    %swap3A_10 = vector.shape_cast %swap3A_9 : vector<16xi32> to vector<16xi32>
    %swap3A_11 = vector.shape_cast %and3A_8 : vector<16xi32> to vector<16xi32>
    tpu.vector_store %arg8[%swap3A], %swap3A_11 {strides = array<i32>} : memref<80xi32, #tpu.memory_space<vmem>>, vector<16xi32>,
    %shift_right_logical3A = arith.constant 14 : i32
    %shift_right_logical3A_12 = vector.broadcast %shift_right_logical3A : i32 to vector<16xi32>
    %shift_right_logical3A_13 = arith.shrui %get3A_6, %shift_right_logical3A_12 : vector<16xi32>
    %swap3A_14 = arith.constant 0 : index
    %swap3A_15 = tpu.vector_load %arg9[%swap3A_14] {strides = array<i32>} : memref<80xi32, #tpu.memory_space<vmem>>, vector<16xi32>,
    %swap3A_16 = vector.shape_cast %swap3A_15 : vector<16xi32> to vector<16xi32>
    %swap3A_17 = vector.shape_cast %shift_right_logical3A_13 : vector<16xi32> to vector<16xi32>
    tpu.vector_store %arg9[%swap3A_14], %swap3A_17 {strides = array<i32>} : memref<80xi32, #tpu.memory_space<vmem>>, vector<16xi32>,
    %get3A_18 = arith.constant 0 : i32
    %get3A_19 = arith.index_cast %get3A_18 : i32 to index
    %get3A_20 = arith.constant 16 : index
    %get3A_21 = tpu.vector_load %arg7[%get3A_19, %get3A_20] {strides = array<i32>} : memref<125x80xi32, #tpu.memory_space<vmem>>, vector<1x16xi32>,
    %get3A_22 = vector.shape_cast %get3A_21 : vector<1x16xi32> to vector<16xi32>
    %and3A_23 = arith.constant 16383 : i32
    %and3A_24 = vector.broadcast %and3A_23 : i32 to vector<16xi32>
    %and3A_25 = arith.andi %get3A_22, %and3A_24 : vector<16xi32>
    %swap3A_26 = arith.constant 16 : index
    %swap3A_27 = tpu.vector_load %arg8[%swap3A_26] {strides = array<i32>} : memref<80xi32, #tpu.memory_space<vmem>>, vector<16xi32>,
    %swap3A_28 = vector.shape_cast %swap3A_27 : vector<16xi32> to vector<16xi32>
    %swap3A_29 = vector.shape_cast %and3A_25 : vector<16xi32> to vector<16xi32>
    tpu.vector_store %arg8[%swap3A_26], %swap3A_29 {strides = array<i32>} : memref<80xi32, #tpu.memory_space<vmem>>, vector<16xi32>,
    %shift_right_logical3A_30 = arith.constant 14 : i32
    %shift_right_logical3A_31 = vector.broadcast %shift_right_logical3A_30 : i32 to vector<16xi32>
    %shift_right_logical3A_32 = arith.shrui %get3A_22, %shift_right_logical3A_31 : vector<16xi32>
    %swap3A_33 = arith.constant 16 : index
    %swap3A_34 = tpu.vector_load %arg9[%swap3A_33] {strides = array<i32>} : memref<80xi32, #tpu.memory_space<vmem>>, vector<16xi32>,
    %swap3A_35 = vector.shape_cast %swap3A_34 : vector<16xi32> to vector<16xi32>
    %swap3A_36 = vector.shape_cast %shift_right_logical3A_32 : vector<16xi32> to vector<16xi32>
    tpu.vector_store %arg9[%swap3A_33], %swap3A_36 {strides = array<i32>} : memref<80xi32, #tpu.memory_space<vmem>>, vector<16xi32>,
    %get3A_37 = arith.constant 0 : i32
    %get3A_38 = arith.index_cast %get3A_37 : i32 to index
    %get3A_39 = arith.constant 32 : index
    %get3A_40 = tpu.vector_load %arg7[%get3A_38, %get3A_39] {strides = array<i32>} : memref<125x80xi32, #tpu.memory_space<vmem>>, vector<1x16xi32>,
    %get3A_41 = vector.shape_cast %get3A_40 : vector<1x16xi32> to vector<16xi32>
    %and3A_42 = arith.constant 16383 : i32
    %and3A_43 = vector.broadcast %and3A_42 : i32 to vector<16xi32>
    %and3A_44 = arith.andi %get3A_41, %and3A_43 : vector<16xi32>
    %swap3A_45 = arith.constant 32 : index
    %swap3A_46 = tpu.vector_load %arg8[%swap3A_45] {strides = array<i32>} : memref<80xi32, #tpu.memory_space<vmem>>, vector<16xi32>,
    %swap3A_47 = vector.shape_cast %swap3A_46 : vector<16xi32> to vector<16xi32>
    %swap3A_48 = vector.shape_cast %and3A_44 : vector<16xi32> to vector<16xi32>
    tpu.vector_store %arg8[%swap3A_45], %swap3A_48 {strides = array<i32>} : memref<80xi32, #tpu.memory_space<vmem>>, vector<16xi32>,
    %shift_right_logical3A_49 = arith.constant 14 : i32
    %shift_right_logical3A_50 = vector.broadcast %shift_right_logical3A_49 : i32 to vector<16xi32>
    %shift_right_logical3A_51 = arith.shrui %get3A_41, %shift_right_logical3A_50 : vector<16xi32>
    %swap3A_52 = arith.constant 32 : index
    %swap3A_53 = tpu.vector_load %arg9[%swap3A_52] {strides = array<i32>} : memref<80xi32, #tpu.memory_space<vmem>>, vector<16xi32>,
    %swap3A_54 = vector.shape_cast %swap3A_53 : vector<16xi32> to vector<16xi32>
    %swap3A_55 = vector.shape_cast %shift_right_logical3A_51 : vector<16xi32> to vector<16xi32>
    tpu.vector_store %arg9[%swap3A_52], %swap3A_55 {strides = array<i32>} : memref<80xi32, #tpu.memory_space<vmem>>, vector<16xi32>,
    %get3A_56 = arith.constant 0 : i32
    %get3A_57 = arith.index_cast %get3A_56 : i32 to index
    %get3A_58 = arith.constant 48 : index
    %get3A_59 = tpu.vector_load %arg7[%get3A_57, %get3A_58] {strides = array<i32>} : memref<125x80xi32, #tpu.memory_space<vmem>>, vector<1x16xi32>,
    %get3A_60 = vector.shape_cast %get3A_59 : vector<1x16xi32> to vector<16xi32>
    %and3A_61 = arith.constant 16383 : i32
    %and3A_62 = vector.broadcast %and3A_61 : i32 to vector<16xi32>
    %and3A_63 = arith.andi %get3A_60, %and3A_62 : vector<16xi32>
    %swap3A_64 = arith.constant 48 : index
    %swap3A_65 = tpu.vector_load %arg8[%swap3A_64] {strides = array<i32>} : memref<80xi32, #tpu.memory_space<vmem>>, vector<16xi32>,
    %swap3A_66 = vector.shape_cast %swap3A_65 : vector<16xi32> to vector<16xi32>
    %swap3A_67 = vector.shape_cast %and3A_63 : vector<16xi32> to vector<16xi32>
    tpu.vector_store %arg8[%swap3A_64], %swap3A_67 {strides = array<i32>} : memref<80xi32, #tpu.memory_space<vmem>>, vector<16xi32>,
    %shift_right_logical3A_68 = arith.constant 14 : i32
    %shift_right_logical3A_69 = vector.broadcast %shift_right_logical3A_68 : i32 to vector<16xi32>
    %shift_right_logical3A_70 = arith.shrui %get3A_60, %shift_right_logical3A_69 : vector<16xi32>
    %swap3A_71 = arith.constant 48 : index
    %swap3A_72 = tpu.vector_load %arg9[%swap3A_71] {strides = array<i32>} : memref<80xi32, #tpu.memory_space<vmem>>, vector<16xi32>,
    %swap3A_73 = vector.shape_cast %swap3A_72 : vector<16xi32> to vector<16xi32>
    %swap3A_74 = vector.shape_cast %shift_right_logical3A_70 : vector<16xi32> to vector<16xi32>
    tpu.vector_store %arg9[%swap3A_71], %swap3A_74 {strides = array<i32>} : memref<80xi32, #tpu.memory_space<vmem>>, vector<16xi32>,
    %get3A_75 = arith.constant 0 : i32
    %get3A_76 = arith.index_cast %get3A_75 : i32 to index
    %get3A_77 = arith.constant 64 : index
    %get3A_78 = tpu.vector_load %arg7[%get3A_76, %get3A_77] {strides = array<i32>} : memref<125x80xi32, #tpu.memory_space<vmem>>, vector<1x16xi32>,
    %get3A_79 = vector.shape_cast %get3A_78 : vector<1x16xi32> to vector<16xi32>
    %and3A_80 = arith.constant 16383 : i32
    %and3A_81 = vector.broadcast %and3A_80 : i32 to vector<16xi32>
    %and3A_82 = arith.andi %get3A_79, %and3A_81 : vector<16xi32>
    %swap3A_83 = arith.constant 64 : index
    %swap3A_84 = tpu.vector_load %arg8[%swap3A_83] {strides = array<i32>} : memref<80xi32, #tpu.memory_space<vmem>>, vector<16xi32>,
    %swap3A_85 = vector.shape_cast %swap3A_84 : vector<16xi32> to vector<16xi32>
    %swap3A_86 = vector.shape_cast %and3A_82 : vector<16xi32> to vector<16xi32>
    tpu.vector_store %arg8[%swap3A_83], %swap3A_86 {strides = array<i32>} : memref<80xi32, #tpu.memory_space<vmem>>, vector<16xi32>,
    %shift_right_logical3A_87 = arith.constant 14 : i32
    %shift_right_logical3A_88 = vector.broadcast %shift_right_logical3A_87 : i32 to vector<16xi32>
    %shift_right_logical3A_89 = arith.shrui %get3A_79, %shift_right_logical3A_88 : vector<16xi32>
    %swap3A_90 = arith.constant 64 : index
    %swap3A_91 = tpu.vector_load %arg9[%swap3A_90] {strides = array<i32>} : memref<80xi32, #tpu.memory_space<vmem>>, vector<16xi32>,
    %swap3A_92 = vector.shape_cast %swap3A_91 : vector<16xi32> to vector<16xi32>
    %swap3A_93 = vector.shape_cast %shift_right_logical3A_89 : vector<16xi32> to vector<16xi32>
    tpu.vector_store %arg9[%swap3A_90], %swap3A_93 {strides = array<i32>} : memref<80xi32, #tpu.memory_space<vmem>>, vector<16xi32>,
    %dma_start3A = arith.constant 0 : i32
    %dma_start3A_94 = arith.constant 0 : i32
    %dma_start3A_95 = tpu.memref_slice %arg2[%dma_start3A, %dma_start3A_94] : memref<10240x128xf32, #tpu.memory_space<hbm>> -> memref<10240x128xf32, #tpu.memory_space<hbm>>
    tpu.enqueue_indirect_dma source(%dma_start3A_95 : memref<10240x128xf32, #tpu.memory_space<hbm>>) target(%arg12 : memref<80x128xf32, #tpu.memory_space<vmem>>) offsets(%arg8 : memref<80xi32, #tpu.memory_space<vmem>>) semaphore(%arg14 : memref<!tpu.dma_semaphore, #tpu.memory_space<semaphore_mem>>)
    %scan3A = arith.constant 0 : i32
    %scan3A_96 = arith.constant 0 : i32
    %scan3A_97 = arith.constant 62 : i32
    %scan3A_98 = arith.addi %scan3A_96, %scan3A_97 : i32
    %scan3A_99 = arith.constant 1 : i32
    scf.for %scan3A_104 = %scan3A_96 to %scan3A_98 step %scan3A_99  : i32 {
      %mul3A_105 = arith.constant 2 : i32
      %mul3A_106 = arith.muli %mul3A_105, %scan3A_104 : i32
      %add3A_107 = arith.constant 1 : i32
      %add3A_108 = arith.addi %mul3A_106, %add3A_107 : i32
      %get3A_109 = arith.index_cast %add3A_108 : i32 to index
      %get3A_110 = arith.constant 0 : index
      %get3A_111 = tpu.vector_load %arg7[%get3A_109, %get3A_110] {strides = array<i32>} : memref<125x80xi32, #tpu.memory_space<vmem>>, vector<1x16xi32>,
      %get3A_112 = vector.shape_cast %get3A_111 : vector<1x16xi32> to vector<16xi32>
      %and3A_113 = arith.constant 16383 : i32
      %and3A_114 = vector.broadcast %and3A_113 : i32 to vector<16xi32>
      %and3A_115 = arith.andi %get3A_112, %and3A_114 : vector<16xi32>
      %swap3A_116 = arith.constant 0 : index
      %swap3A_117 = tpu.vector_load %arg10[%swap3A_116] {strides = array<i32>} : memref<80xi32, #tpu.memory_space<vmem>>, vector<16xi32>,
      %swap3A_118 = vector.shape_cast %swap3A_117 : vector<16xi32> to vector<16xi32>
      %swap3A_119 = vector.shape_cast %and3A_115 : vector<16xi32> to vector<16xi32>
      tpu.vector_store %arg10[%swap3A_116], %swap3A_119 {strides = array<i32>} : memref<80xi32, #tpu.memory_space<vmem>>, vector<16xi32>,
      %shift_right_logical3A_120 = arith.constant 14 : i32
      %shift_right_logical3A_121 = vector.broadcast %shift_right_logical3A_120 : i32 to vector<16xi32>
      %shift_right_logical3A_122 = arith.shrui %get3A_112, %shift_right_logical3A_121 : vector<16xi32>
      %swap3A_123 = arith.constant 0 : index
      %swap3A_124 = tpu.vector_load %arg11[%swap3A_123] {strides = array<i32>} : memref<80xi32, #tpu.memory_space<vmem>>, vector<16xi32>,
      %swap3A_125 = vector.shape_cast %swap3A_124 : vector<16xi32> to vector<16xi32>
      %swap3A_126 = vector.shape_cast %shift_right_logical3A_122 : vector<16xi32> to vector<16xi32>
      tpu.vector_store %arg11[%swap3A_123], %swap3A_126 {strides = array<i32>} : memref<80xi32, #tpu.memory_space<vmem>>, vector<16xi32>,
      %get3A_127 = arith.index_cast %add3A_108 : i32 to index
      %get3A_128 = arith.constant 16 : index
      %get3A_129 = tpu.vector_load %arg7[%get3A_127, %get3A_128] {strides = array<i32>} : memref<125x80xi32, #tpu.memory_space<vmem>>, vector<1x16xi32>,
      %get3A_130 = vector.shape_cast %get3A_129 : vector<1x16xi32> to vector<16xi32>
      %and3A_131 = arith.constant 16383 : i32
      %and3A_132 = vector.broadcast %and3A_131 : i32 to vector<16xi32>
      %and3A_133 = arith.andi %get3A_130, %and3A_132 : vector<16xi32>
      %swap3A_134 = arith.constant 16 : index
      %swap3A_135 = tpu.vector_load %arg10[%swap3A_134] {strides = array<i32>} : memref<80xi32, #tpu.memory_space<vmem>>, vector<16xi32>,
      %swap3A_136 = vector.shape_cast %swap3A_135 : vector<16xi32> to vector<16xi32>
      %swap3A_137 = vector.shape_cast %and3A_133 : vector<16xi32> to vector<16xi32>
      tpu.vector_store %arg10[%swap3A_134], %swap3A_137 {strides = array<i32>} : memref<80xi32, #tpu.memory_space<vmem>>, vector<16xi32>,
      %shift_right_logical3A_138 = arith.constant 14 : i32
      %shift_right_logical3A_139 = vector.broadcast %shift_right_logical3A_138 : i32 to vector<16xi32>
      %shift_right_logical3A_140 = arith.shrui %get3A_130, %shift_right_logical3A_139 : vector<16xi32>
      %swap3A_141 = arith.constant 16 : index
      %swap3A_142 = tpu.vector_load %arg11[%swap3A_141] {strides = array<i32>} : memref<80xi32, #tpu.memory_space<vmem>>, vector<16xi32>,
      %swap3A_143 = vector.shape_cast %swap3A_142 : vector<16xi32> to vector<16xi32>
      %swap3A_144 = vector.shape_cast %shift_right_logical3A_140 : vector<16xi32> to vector<16xi32>
      tpu.vector_store %arg11[%swap3A_141], %swap3A_144 {strides = array<i32>} : memref<80xi32, #tpu.memory_space<vmem>>, vector<16xi32>,
      %get3A_145 = arith.index_cast %add3A_108 : i32 to index
      %get3A_146 = arith.constant 32 : index
      %get3A_147 = tpu.vector_load %arg7[%get3A_145, %get3A_146] {strides = array<i32>} : memref<125x80xi32, #tpu.memory_space<vmem>>, vector<1x16xi32>,
      %get3A_148 = vector.shape_cast %get3A_147 : vector<1x16xi32> to vector<16xi32>
      %and3A_149 = arith.constant 16383 : i32
      %and3A_150 = vector.broadcast %and3A_149 : i32 to vector<16xi32>
      %and3A_151 = arith.andi %get3A_148, %and3A_150 : vector<16xi32>
      %swap3A_152 = arith.constant 32 : index
      %swap3A_153 = tpu.vector_load %arg10[%swap3A_152] {strides = array<i32>} : memref<80xi32, #tpu.memory_space<vmem>>, vector<16xi32>,
      %swap3A_154 = vector.shape_cast %swap3A_153 : vector<16xi32> to vector<16xi32>
      %swap3A_155 = vector.shape_cast %and3A_151 : vector<16xi32> to vector<16xi32>
      tpu.vector_store %arg10[%swap3A_152], %swap3A_155 {strides = array<i32>} : memref<80xi32, #tpu.memory_space<vmem>>, vector<16xi32>,
      %shift_right_logical3A_156 = arith.constant 14 : i32
      %shift_right_logical3A_157 = vector.broadcast %shift_right_logical3A_156 : i32 to vector<16xi32>
      %shift_right_logical3A_158 = arith.shrui %get3A_148, %shift_right_logical3A_157 : vector<16xi32>
      %swap3A_159 = arith.constant 32 : index
      %swap3A_160 = tpu.vector_load %arg11[%swap3A_159] {strides = array<i32>} : memref<80xi32, #tpu.memory_space<vmem>>, vector<16xi32>,
      %swap3A_161 = vector.shape_cast %swap3A_160 : vector<16xi32> to vector<16xi32>
      %swap3A_162 = vector.shape_cast %shift_right_logical3A_158 : vector<16xi32> to vector<16xi32>
      tpu.vector_store %arg11[%swap3A_159], %swap3A_162 {strides = array<i32>} : memref<80xi32, #tpu.memory_space<vmem>>, vector<16xi32>,
      %get3A_163 = arith.index_cast %add3A_108 : i32 to index
      %get3A_164 = arith.constant 48 : index
      %get3A_165 = tpu.vector_load %arg7[%get3A_163, %get3A_164] {strides = array<i32>} : memref<125x80xi32, #tpu.memory_space<vmem>>, vector<1x16xi32>,
      %get3A_166 = vector.shape_cast %get3A_165 : vector<1x16xi32> to vector<16xi32>
      %and3A_167 = arith.constant 16383 : i32
      %and3A_168 = vector.broadcast %and3A_167 : i32 to vector<16xi32>
      %and3A_169 = arith.andi %get3A_166, %and3A_168 : vector<16xi32>
      %swap3A_170 = arith.constant 48 : index
      %swap3A_171 = tpu.vector_load %arg10[%swap3A_170] {strides = array<i32>} : memref<80xi32, #tpu.memory_space<vmem>>, vector<16xi32>,
      %swap3A_172 = vector.shape_cast %swap3A_171 : vector<16xi32> to vector<16xi32>
      %swap3A_173 = vector.shape_cast %and3A_169 : vector<16xi32> to vector<16xi32>
      tpu.vector_store %arg10[%swap3A_170], %swap3A_173 {strides = array<i32>} : memref<80xi32, #tpu.memory_space<vmem>>, vector<16xi32>,
      %shift_right_logical3A_174 = arith.constant 14 : i32
      %shift_right_logical3A_175 = vector.broadcast %shift_right_logical3A_174 : i32 to vector<16xi32>
      %shift_right_logical3A_176 = arith.shrui %get3A_166, %shift_right_logical3A_175 : vector<16xi32>
      %swap3A_177 = arith.constant 48 : index
      %swap3A_178 = tpu.vector_load %arg11[%swap3A_177] {strides = array<i32>} : memref<80xi32, #tpu.memory_space<vmem>>, vector<16xi32>,
      %swap3A_179 = vector.shape_cast %swap3A_178 : vector<16xi32> to vector<16xi32>
      %swap3A_180 = vector.shape_cast %shift_right_logical3A_176 : vector<16xi32> to vector<16xi32>
      tpu.vector_store %arg11[%swap3A_177], %swap3A_180 {strides = array<i32>} : memref<80xi32, #tpu.memory_space<vmem>>, vector<16xi32>,
      %get3A_181 = arith.index_cast %add3A_108 : i32 to index
      %get3A_182 = arith.constant 64 : index
      %get3A_183 = tpu.vector_load %arg7[%get3A_181, %get3A_182] {strides = array<i32>} : memref<125x80xi32, #tpu.memory_space<vmem>>, vector<1x16xi32>,
      %get3A_184 = vector.shape_cast %get3A_183 : vector<1x16xi32> to vector<16xi32>
      %and3A_185 = arith.constant 16383 : i32
      %and3A_186 = vector.broadcast %and3A_185 : i32 to vector<16xi32>
      %and3A_187 = arith.andi %get3A_184, %and3A_186 : vector<16xi32>
      %swap3A_188 = arith.constant 64 : index
      %swap3A_189 = tpu.vector_load %arg10[%swap3A_188] {strides = array<i32>} : memref<80xi32, #tpu.memory_space<vmem>>, vector<16xi32>,
      %swap3A_190 = vector.shape_cast %swap3A_189 : vector<16xi32> to vector<16xi32>
      %swap3A_191 = vector.shape_cast %and3A_187 : vector<16xi32> to vector<16xi32>
      tpu.vector_store %arg10[%swap3A_188], %swap3A_191 {strides = array<i32>} : memref<80xi32, #tpu.memory_space<vmem>>, vector<16xi32>,
      %shift_right_logical3A_192 = arith.constant 14 : i32
      %shift_right_logical3A_193 = vector.broadcast %shift_right_logical3A_192 : i32 to vector<16xi32>
      %shift_right_logical3A_194 = arith.shrui %get3A_184, %shift_right_logical3A_193 : vector<16xi32>
      %swap3A_195 = arith.constant 64 : index
      %swap3A_196 = tpu.vector_load %arg11[%swap3A_195] {strides = array<i32>} : memref<80xi32, #tpu.memory_space<vmem>>, vector<16xi32>,
      %swap3A_197 = vector.shape_cast %swap3A_196 : vector<16xi32> to vector<16xi32>
      %swap3A_198 = vector.shape_cast %shift_right_logical3A_194 : vector<16xi32> to vector<16xi32>
      tpu.vector_store %arg11[%swap3A_195], %swap3A_198 {strides = array<i32>} : memref<80xi32, #tpu.memory_space<vmem>>, vector<16xi32>,
      %dma_start3A_199 = arith.constant 0 : i32
      %dma_start3A_200 = arith.constant 0 : i32
      %dma_start3A_201 = tpu.memref_slice %arg2[%dma_start3A_199, %dma_start3A_200] : memref<10240x128xf32, #tpu.memory_space<hbm>> -> memref<10240x128xf32, #tpu.memory_space<hbm>>
      tpu.enqueue_indirect_dma source(%dma_start3A_201 : memref<10240x128xf32, #tpu.memory_space<hbm>>) target(%arg13 : memref<80x128xf32, #tpu.memory_space<vmem>>) offsets(%arg10 : memref<80xi32, #tpu.memory_space<vmem>>) semaphore(%arg15 : memref<!tpu.dma_semaphore, #tpu.memory_space<semaphore_mem>>)
      %dma_wait3A_202 = arith.constant 0 : i32
      %dma_wait3A_203 = arith.constant 0 : i32
      %dma_wait3A_204 = tpu.memref_slice %arg2[%dma_wait3A_202, %dma_wait3A_203] : memref<10240x128xf32, #tpu.memory_space<hbm>> -> memref<10240x128xf32, #tpu.memory_space<hbm>>
      tpu.wait_indirect_dma semaphore(%arg14 : memref<!tpu.dma_semaphore, #tpu.memory_space<semaphore_mem>>) src(%dma_wait3A_204 : memref<10240x128xf32, #tpu.memory_space<hbm>>) dst(%arg12 : memref<80x128xf32, #tpu.memory_space<vmem>>)
      "tpu.region"() ({
        %run_scoped3A = tpu.sem_alloc : memref<!tpu.dma_semaphore, #tpu.memory_space<semaphore_mem>>
        %dma_start3A_303 = arith.constant 0 : i32
        %dma_start3A_304 = arith.constant 0 : i32
        %dma_start3A_305 = tpu.memref_slice %arg6[%dma_start3A_303, %dma_start3A_304] : memref<10240x128xf32, #tpu.memory_space<vmem_shared>> -> memref<10240x128xf32, #tpu.memory_space<vmem_shared>>
        tpu.enqueue_indirect_dma source(%arg12 : memref<80x128xf32, #tpu.memory_space<vmem>>) target(%dma_start3A_305 : memref<10240x128xf32, #tpu.memory_space<vmem_shared>>) offsets(%arg9 : memref<80xi32, #tpu.memory_space<vmem>>) semaphore(%run_scoped3A : memref<!tpu.dma_semaphore, #tpu.memory_space<semaphore_mem>>) {add = true}
        %dma_wait3A_306 = arith.constant 0 : i32
        %dma_wait3A_307 = arith.constant 0 : i32
        %dma_wait3A_308 = tpu.memref_slice %arg6[%dma_wait3A_306, %dma_wait3A_307] : memref<10240x128xf32, #tpu.memory_space<vmem_shared>> -> memref<10240x128xf32, #tpu.memory_space<vmem_shared>>
        tpu.wait_indirect_dma semaphore(%run_scoped3A : memref<!tpu.dma_semaphore, #tpu.memory_space<semaphore_mem>>) src(%arg12 : memref<80x128xf32, #tpu.memory_space<vmem>>) dst(%dma_wait3A_308 : memref<10240x128xf32, #tpu.memory_space<vmem_shared>>)
        tpu.yield
      }) : () -> ()
      %add3A_205 = arith.constant 2 : i32
      %add3A_206 = arith.addi %mul3A_106, %add3A_205 : i32
      %get3A_207 = arith.index_cast %add3A_206 : i32 to index
      %get3A_208 = arith.constant 0 : index
      %get3A_209 = tpu.vector_load %arg7[%get3A_207, %get3A_208] {strides = array<i32>} : memref<125x80xi32, #tpu.memory_space<vmem>>, vector<1x16xi32>,
      %get3A_210 = vector.shape_cast %get3A_209 : vector<1x16xi32> to vector<16xi32>
      %and3A_211 = arith.constant 16383 : i32
      %and3A_212 = vector.broadcast %and3A_211 : i32 to vector<16xi32>
      %and3A_213 = arith.andi %get3A_210, %and3A_212 : vector<16xi32>
      %swap3A_214 = arith.constant 0 : index
      %swap3A_215 = tpu.vector_load %arg8[%swap3A_214] {strides = array<i32>} : memref<80xi32, #tpu.memory_space<vmem>>, vector<16xi32>,
      %swap3A_216 = vector.shape_cast %swap3A_215 : vector<16xi32> to vector<16xi32>
      %swap3A_217 = vector.shape_cast %and3A_213 : vector<16xi32> to vector<16xi32>
      tpu.vector_store %arg8[%swap3A_214], %swap3A_217 {strides = array<i32>} : memref<80xi32, #tpu.memory_space<vmem>>, vector<16xi32>,
      %shift_right_logical3A_218 = arith.constant 14 : i32
      %shift_right_logical3A_219 = vector.broadcast %shift_right_logical3A_218 : i32 to vector<16xi32>
      %shift_right_logical3A_220 = arith.shrui %get3A_210, %shift_right_logical3A_219 : vector<16xi32>
      %swap3A_221 = arith.constant 0 : index
      %swap3A_222 = tpu.vector_load %arg9[%swap3A_221] {strides = array<i32>} : memref<80xi32, #tpu.memory_space<vmem>>, vector<16xi32>,
      %swap3A_223 = vector.shape_cast %swap3A_222 : vector<16xi32> to vector<16xi32>
      %swap3A_224 = vector.shape_cast %shift_right_logical3A_220 : vector<16xi32> to vector<16xi32>
      tpu.vector_store %arg9[%swap3A_221], %swap3A_224 {strides = array<i32>} : memref<80xi32, #tpu.memory_space<vmem>>, vector<16xi32>,
      %get3A_225 = arith.index_cast %add3A_206 : i32 to index
      %get3A_226 = arith.constant 16 : index
      %get3A_227 = tpu.vector_load %arg7[%get3A_225, %get3A_226] {strides = array<i32>} : memref<125x80xi32, #tpu.memory_space<vmem>>, vector<1x16xi32>,
      %get3A_228 = vector.shape_cast %get3A_227 : vector<1x16xi32> to vector<16xi32>
      %and3A_229 = arith.constant 16383 : i32
      %and3A_230 = vector.broadcast %and3A_229 : i32 to vector<16xi32>
      %and3A_231 = arith.andi %get3A_228, %and3A_230 : vector<16xi32>
      %swap3A_232 = arith.constant 16 : index
      %swap3A_233 = tpu.vector_load %arg8[%swap3A_232] {strides = array<i32>} : memref<80xi32, #tpu.memory_space<vmem>>, vector<16xi32>,
      %swap3A_234 = vector.shape_cast %swap3A_233 : vector<16xi32> to vector<16xi32>
      %swap3A_235 = vector.shape_cast %and3A_231 : vector<16xi32> to vector<16xi32>
      tpu.vector_store %arg8[%swap3A_232], %swap3A_235 {strides = array<i32>} : memref<80xi32, #tpu.memory_space<vmem>>, vector<16xi32>,
      %shift_right_logical3A_236 = arith.constant 14 : i32
      %shift_right_logical3A_237 = vector.broadcast %shift_right_logical3A_236 : i32 to vector<16xi32>
      %shift_right_logical3A_238 = arith.shrui %get3A_228, %shift_right_logical3A_237 : vector<16xi32>
      %swap3A_239 = arith.constant 16 : index
      %swap3A_240 = tpu.vector_load %arg9[%swap3A_239] {strides = array<i32>} : memref<80xi32, #tpu.memory_space<vmem>>, vector<16xi32>,
      %swap3A_241 = vector.shape_cast %swap3A_240 : vector<16xi32> to vector<16xi32>
      %swap3A_242 = vector.shape_cast %shift_right_logical3A_238 : vector<16xi32> to vector<16xi32>
      tpu.vector_store %arg9[%swap3A_239], %swap3A_242 {strides = array<i32>} : memref<80xi32, #tpu.memory_space<vmem>>, vector<16xi32>,
      %get3A_243 = arith.index_cast %add3A_206 : i32 to index
      %get3A_244 = arith.constant 32 : index
      %get3A_245 = tpu.vector_load %arg7[%get3A_243, %get3A_244] {strides = array<i32>} : memref<125x80xi32, #tpu.memory_space<vmem>>, vector<1x16xi32>,
      %get3A_246 = vector.shape_cast %get3A_245 : vector<1x16xi32> to vector<16xi32>
      %and3A_247 = arith.constant 16383 : i32
      %and3A_248 = vector.broadcast %and3A_247 : i32 to vector<16xi32>
      %and3A_249 = arith.andi %get3A_246, %and3A_248 : vector<16xi32>
      %swap3A_250 = arith.constant 32 : index
      %swap3A_251 = tpu.vector_load %arg8[%swap3A_250] {strides = array<i32>} : memref<80xi32, #tpu.memory_space<vmem>>, vector<16xi32>,
      %swap3A_252 = vector.shape_cast %swap3A_251 : vector<16xi32> to vector<16xi32>
      %swap3A_253 = vector.shape_cast %and3A_249 : vector<16xi32> to vector<16xi32>
      tpu.vector_store %arg8[%swap3A_250], %swap3A_253 {strides = array<i32>} : memref<80xi32, #tpu.memory_space<vmem>>, vector<16xi32>,
      %shift_right_logical3A_254 = arith.constant 14 : i32
      %shift_right_logical3A_255 = vector.broadcast %shift_right_logical3A_254 : i32 to vector<16xi32>
      %shift_right_logical3A_256 = arith.shrui %get3A_246, %shift_right_logical3A_255 : vector<16xi32>
      %swap3A_257 = arith.constant 32 : index
      %swap3A_258 = tpu.vector_load %arg9[%swap3A_257] {strides = array<i32>} : memref<80xi32, #tpu.memory_space<vmem>>, vector<16xi32>,
      %swap3A_259 = vector.shape_cast %swap3A_258 : vector<16xi32> to vector<16xi32>
      %swap3A_260 = vector.shape_cast %shift_right_logical3A_256 : vector<16xi32> to vector<16xi32>
      tpu.vector_store %arg9[%swap3A_257], %swap3A_260 {strides = array<i32>} : memref<80xi32, #tpu.memory_space<vmem>>, vector<16xi32>,
      %get3A_261 = arith.index_cast %add3A_206 : i32 to index
      %get3A_262 = arith.constant 48 : index
      %get3A_263 = tpu.vector_load %arg7[%get3A_261, %get3A_262] {strides = array<i32>} : memref<125x80xi32, #tpu.memory_space<vmem>>, vector<1x16xi32>,
      %get3A_264 = vector.shape_cast %get3A_263 : vector<1x16xi32> to vector<16xi32>
      %and3A_265 = arith.constant 16383 : i32
      %and3A_266 = vector.broadcast %and3A_265 : i32 to vector<16xi32>
      %and3A_267 = arith.andi %get3A_264, %and3A_266 : vector<16xi32>
      %swap3A_268 = arith.constant 48 : index
      %swap3A_269 = tpu.vector_load %arg8[%swap3A_268] {strides = array<i32>} : memref<80xi32, #tpu.memory_space<vmem>>, vector<16xi32>,
      %swap3A_270 = vector.shape_cast %swap3A_269 : vector<16xi32> to vector<16xi32>
      %swap3A_271 = vector.shape_cast %and3A_267 : vector<16xi32> to vector<16xi32>
      tpu.vector_store %arg8[%swap3A_268], %swap3A_271 {strides = array<i32>} : memref<80xi32, #tpu.memory_space<vmem>>, vector<16xi32>,
      %shift_right_logical3A_272 = arith.constant 14 : i32
      %shift_right_logical3A_273 = vector.broadcast %shift_right_logical3A_272 : i32 to vector<16xi32>
      %shift_right_logical3A_274 = arith.shrui %get3A_264, %shift_right_logical3A_273 : vector<16xi32>
      %swap3A_275 = arith.constant 48 : index
      %swap3A_276 = tpu.vector_load %arg9[%swap3A_275] {strides = array<i32>} : memref<80xi32, #tpu.memory_space<vmem>>, vector<16xi32>,
      %swap3A_277 = vector.shape_cast %swap3A_276 : vector<16xi32> to vector<16xi32>
      %swap3A_278 = vector.shape_cast %shift_right_logical3A_274 : vector<16xi32> to vector<16xi32>
      tpu.vector_store %arg9[%swap3A_275], %swap3A_278 {strides = array<i32>} : memref<80xi32, #tpu.memory_space<vmem>>, vector<16xi32>,
      %get3A_279 = arith.index_cast %add3A_206 : i32 to index
      %get3A_280 = arith.constant 64 : index
      %get3A_281 = tpu.vector_load %arg7[%get3A_279, %get3A_280] {strides = array<i32>} : memref<125x80xi32, #tpu.memory_space<vmem>>, vector<1x16xi32>,
      %get3A_282 = vector.shape_cast %get3A_281 : vector<1x16xi32> to vector<16xi32>
      %and3A_283 = arith.constant 16383 : i32
      %and3A_284 = vector.broadcast %and3A_283 : i32 to vector<16xi32>
      %and3A_285 = arith.andi %get3A_282, %and3A_284 : vector<16xi32>
      %swap3A_286 = arith.constant 64 : index
      %swap3A_287 = tpu.vector_load %arg8[%swap3A_286] {strides = array<i32>} : memref<80xi32, #tpu.memory_space<vmem>>, vector<16xi32>,
      %swap3A_288 = vector.shape_cast %swap3A_287 : vector<16xi32> to vector<16xi32>
      %swap3A_289 = vector.shape_cast %and3A_285 : vector<16xi32> to vector<16xi32>
      tpu.vector_store %arg8[%swap3A_286], %swap3A_289 {strides = array<i32>} : memref<80xi32, #tpu.memory_space<vmem>>, vector<16xi32>,
      %shift_right_logical3A_290 = arith.constant 14 : i32
      %shift_right_logical3A_291 = vector.broadcast %shift_right_logical3A_290 : i32 to vector<16xi32>
      %shift_right_logical3A_292 = arith.shrui %get3A_282, %shift_right_logical3A_291 : vector<16xi32>
      %swap3A_293 = arith.constant 64 : index
      %swap3A_294 = tpu.vector_load %arg9[%swap3A_293] {strides = array<i32>} : memref<80xi32, #tpu.memory_space<vmem>>, vector<16xi32>,
      %swap3A_295 = vector.shape_cast %swap3A_294 : vector<16xi32> to vector<16xi32>
      %swap3A_296 = vector.shape_cast %shift_right_logical3A_292 : vector<16xi32> to vector<16xi32>
      tpu.vector_store %arg9[%swap3A_293], %swap3A_296 {strides = array<i32>} : memref<80xi32, #tpu.memory_space<vmem>>, vector<16xi32>,
      %dma_start3A_297 = arith.constant 0 : i32
      %dma_start3A_298 = arith.constant 0 : i32
      %dma_start3A_299 = tpu.memref_slice %arg2[%dma_start3A_297, %dma_start3A_298] : memref<10240x128xf32, #tpu.memory_space<hbm>> -> memref<10240x128xf32, #tpu.memory_space<hbm>>
      tpu.enqueue_indirect_dma source(%dma_start3A_299 : memref<10240x128xf32, #tpu.memory_space<hbm>>) target(%arg12 : memref<80x128xf32, #tpu.memory_space<vmem>>) offsets(%arg8 : memref<80xi32, #tpu.memory_space<vmem>>) semaphore(%arg14 : memref<!tpu.dma_semaphore, #tpu.memory_space<semaphore_mem>>)
      %dma_wait3A_300 = arith.constant 0 : i32
      %dma_wait3A_301 = arith.constant 0 : i32
      %dma_wait3A_302 = tpu.memref_slice %arg2[%dma_wait3A_300, %dma_wait3A_301] : memref<10240x128xf32, #tpu.memory_space<hbm>> -> memref<10240x128xf32, #tpu.memory_space<hbm>>
      tpu.wait_indirect_dma semaphore(%arg15 : memref<!tpu.dma_semaphore, #tpu.memory_space<semaphore_mem>>) src(%dma_wait3A_302 : memref<10240x128xf32, #tpu.memory_space<hbm>>) dst(%arg13 : memref<80x128xf32, #tpu.memory_space<vmem>>)
      "tpu.region"() ({
        %run_scoped3A = tpu.sem_alloc : memref<!tpu.dma_semaphore, #tpu.memory_space<semaphore_mem>>
        %dma_start3A_303 = arith.constant 0 : i32
        %dma_start3A_304 = arith.constant 0 : i32
        %dma_start3A_305 = tpu.memref_slice %arg6[%dma_start3A_303, %dma_start3A_304] : memref<10240x128xf32, #tpu.memory_space<vmem_shared>> -> memref<10240x128xf32, #tpu.memory_space<vmem_shared>>
        tpu.enqueue_indirect_dma source(%arg13 : memref<80x128xf32, #tpu.memory_space<vmem>>) target(%dma_start3A_305 : memref<10240x128xf32, #tpu.memory_space<vmem_shared>>) offsets(%arg11 : memref<80xi32, #tpu.memory_space<vmem>>) semaphore(%run_scoped3A : memref<!tpu.dma_semaphore, #tpu.memory_space<semaphore_mem>>) {add = true}
        %dma_wait3A_306 = arith.constant 0 : i32
        %dma_wait3A_307 = arith.constant 0 : i32
        %dma_wait3A_308 = tpu.memref_slice %arg6[%dma_wait3A_306, %dma_wait3A_307] : memref<10240x128xf32, #tpu.memory_space<vmem_shared>> -> memref<10240x128xf32, #tpu.memory_space<vmem_shared>>
        tpu.wait_indirect_dma semaphore(%run_scoped3A : memref<!tpu.dma_semaphore, #tpu.memory_space<semaphore_mem>>) src(%arg13 : memref<80x128xf32, #tpu.memory_space<vmem>>) dst(%dma_wait3A_308 : memref<10240x128xf32, #tpu.memory_space<vmem_shared>>)
        tpu.yield
      }) : () -> ()
    }
    %scan3A_100 = arith.constant 62 : i32
    %dma_wait3A = arith.constant 0 : i32
    %dma_wait3A_101 = arith.constant 0 : i32
    %dma_wait3A_102 = tpu.memref_slice %arg2[%dma_wait3A, %dma_wait3A_101] : memref<10240x128xf32, #tpu.memory_space<hbm>> -> memref<10240x128xf32, #tpu.memory_space<hbm>>
    tpu.wait_indirect_dma semaphore(%arg14 : memref<!tpu.dma_semaphore, #tpu.memory_space<semaphore_mem>>) src(%dma_wait3A_102 : memref<10240x128xf32, #tpu.memory_space<hbm>>) dst(%arg12 : memref<80x128xf32, #tpu.memory_space<vmem>>)
    "tpu.region"() ({
      %run_scoped3A = tpu.sem_alloc : memref<!tpu.dma_semaphore, #tpu.memory_space<semaphore_mem>>
      %dma_start3A_104 = arith.constant 0 : i32
      %dma_start3A_105 = arith.constant 0 : i32
      %dma_start3A_106 = tpu.memref_slice %arg6[%dma_start3A_104, %dma_start3A_105] : memref<10240x128xf32, #tpu.memory_space<vmem_shared>> -> memref<10240x128xf32, #tpu.memory_space<vmem_shared>>
      tpu.enqueue_indirect_dma source(%arg12 : memref<80x128xf32, #tpu.memory_space<vmem>>) target(%dma_start3A_106 : memref<10240x128xf32, #tpu.memory_space<vmem_shared>>) offsets(%arg9 : memref<80xi32, #tpu.memory_space<vmem>>) semaphore(%run_scoped3A : memref<!tpu.dma_semaphore, #tpu.memory_space<semaphore_mem>>) {add = true}
      %dma_wait3A_107 = arith.constant 0 : i32
      %dma_wait3A_108 = arith.constant 0 : i32
      %dma_wait3A_109 = tpu.memref_slice %arg6[%dma_wait3A_107, %dma_wait3A_108] : memref<10240x128xf32, #tpu.memory_space<vmem_shared>> -> memref<10240x128xf32, #tpu.memory_space<vmem_shared>>
      tpu.wait_indirect_dma semaphore(%run_scoped3A : memref<!tpu.dma_semaphore, #tpu.memory_space<semaphore_mem>>) src(%arg12 : memref<80x128xf32, #tpu.memory_space<vmem>>) dst(%dma_wait3A_109 : memref<10240x128xf32, #tpu.memory_space<vmem_shared>>)
      tpu.yield
    }) : () -> ()
    %barrier3A_103 = arith.constant 0 : index
    tpu.barrier barrier_id(%barrier3A_103)
    "tpu.region"() ({
      %run_scoped3A = tpu.sem_alloc : memref<!tpu.dma_semaphore, #tpu.memory_space<semaphore_mem>>
      %dma_start3A_104 = arith.constant 0 : i32
      %dma_start3A_105 = tpu.memref_slice %arg5[%arg0, %mul3A_2, %dma_start3A_104] : memref<2x10240x128xf32, #tpu.memory_space<hbm>> -> memref<1x640x128xf32, #tpu.memory_space<hbm>>
      %dma_start3A_106 = tpu.memref_squeeze %dma_start3A_105 : memref<1x640x128xf32, #tpu.memory_space<hbm>> -> memref<640x128xf32, #tpu.memory_space<hbm>>
      %dma_start3A_107 = arith.constant 0 : i32
      %dma_start3A_108 = tpu.memref_slice %arg6[%mul3A_2, %dma_start3A_107] : memref<10240x128xf32, #tpu.memory_space<vmem_shared>> -> memref<640x128xf32, #tpu.memory_space<vmem_shared>>
      tpu.enqueue_dma source(%dma_start3A_108 : memref<640x128xf32, #tpu.memory_space<vmem_shared>>) target(%dma_start3A_106 : memref<640x128xf32, #tpu.memory_space<hbm>>) target_semaphore(%run_scoped3A : memref<!tpu.dma_semaphore, #tpu.memory_space<semaphore_mem>>)
      %dma_wait3A_109 = arith.constant 0 : i32
      %dma_wait3A_110 = tpu.memref_slice %arg5[%arg0, %mul3A_2, %dma_wait3A_109] : memref<2x10240x128xf32, #tpu.memory_space<hbm>> -> memref<1x640x128xf32, #tpu.memory_space<hbm>>
      %dma_wait3A_111 = tpu.memref_squeeze %dma_wait3A_110 : memref<1x640x128xf32, #tpu.memory_space<hbm>> -> memref<640x128xf32, #tpu.memory_space<hbm>>
      %dma_wait3A_112 = arith.constant 0 : i32
      %dma_wait3A_113 = tpu.memref_slice %arg6[%mul3A_2, %dma_wait3A_112] : memref<10240x128xf32, #tpu.memory_space<vmem_shared>> -> memref<640x128xf32, #tpu.memory_space<vmem_shared>>
      tpu.wait_dma2 semaphore(%run_scoped3A : memref<!tpu.dma_semaphore, #tpu.memory_space<semaphore_mem>>) src(%dma_wait3A_113 : memref<640x128xf32, #tpu.memory_space<vmem_shared>>) dst(%dma_wait3A_111 : memref<640x128xf32, #tpu.memory_space<hbm>>)
      tpu.yield
    }) : () -> ()
    return
  }
}

#map = affine_map<(d0, d1) -> (0, 0)>
#map1 = affine_map<(d0, d1) -> (0, 0, 0)>
module attributes {stable_mosaic.version = 14 : i64} {
  func.func @_sc_aggregate_body(%arg0: i32, %arg1: i32, %arg2: memref<10000x128xf32, #tpu.memory_space<hbm>>, %arg3: memref<32x125x80xi32, #tpu.memory_space<hbm>>, %arg4: memref<640x128xf32, #tpu.memory_space<hbm>>, %arg5: memref<2x10240x128xf32, #tpu.memory_space<hbm>>, %arg6: memref<10240x128xf32, #tpu.memory_space<vmem_shared>>, %arg7: memref<125x80xi32, #tpu.memory_space<vmem>>, %arg8: memref<80xi32, #tpu.memory_space<vmem>>, %arg9: memref<80xi32, #tpu.memory_space<vmem>>, %arg10: memref<80xi32, #tpu.memory_space<vmem>>, %arg11: memref<80xi32, #tpu.memory_space<vmem>>, %arg12: memref<80x128xf32, #tpu.memory_space<vmem>>, %arg13: memref<80x128xf32, #tpu.memory_space<vmem>>, %arg14: memref<!tpu.dma_semaphore, #tpu.memory_space<semaphore_mem>>, %arg15: memref<!tpu.dma_semaphore, #tpu.memory_space<semaphore_mem>>) attributes {dimension_semantics = [#tpu.dimension_semantics<core_parallel>, #tpu.dimension_semantics<subcore_parallel>], iteration_bounds = array<i64: 2, 16>, scalar_prefetch = 0 : i64, scratch_operands = 10 : i64, tpu.core_type = #tpu.core_type<sc_vector_subcore>, window_params = [{transform_indices = #map}, {transform_indices = #map1}, {transform_indices = #map}, {transform_indices = #map1}]} {
    %mul3A = arith.constant 16 : i32
    %mul3A_0 = arith.muli %arg0, %mul3A : i32
    %add3A = arith.addi %mul3A_0, %arg1 : i32
    %mul3A_1 = arith.constant 640 : i32
    %mul3A_2 = arith.muli %arg1, %mul3A_1 : i32
    "tpu.region"() ({
      %run_scoped3A = tpu.sem_alloc : memref<!tpu.dma_semaphore, #tpu.memory_space<semaphore_mem>>
      %dma_start3A_104 = arith.constant 0 : i32
      %dma_start3A_105 = tpu.memref_slice %arg6[%mul3A_2, %dma_start3A_104] : memref<10240x128xf32, #tpu.memory_space<vmem_shared>> -> memref<640x128xf32, #tpu.memory_space<vmem_shared>>
      tpu.enqueue_dma source(%arg4 : memref<640x128xf32, #tpu.memory_space<hbm>>) target(%dma_start3A_105 : memref<640x128xf32, #tpu.memory_space<vmem_shared>>) target_semaphore(%run_scoped3A : memref<!tpu.dma_semaphore, #tpu.memory_space<semaphore_mem>>)
      %dma_wait3A_106 = arith.constant 0 : i32
      %dma_wait3A_107 = tpu.memref_slice %arg6[%mul3A_2, %dma_wait3A_106] : memref<10240x128xf32, #tpu.memory_space<vmem_shared>> -> memref<640x128xf32, #tpu.memory_space<vmem_shared>>
      tpu.wait_dma2 semaphore(%run_scoped3A : memref<!tpu.dma_semaphore, #tpu.memory_space<semaphore_mem>>) src(%arg4 : memref<640x128xf32, #tpu.memory_space<hbm>>) dst(%dma_wait3A_107 : memref<640x128xf32, #tpu.memory_space<vmem_shared>>)
      tpu.yield
    }) : () -> ()
    "tpu.region"() ({
      %run_scoped3A = tpu.sem_alloc : memref<!tpu.dma_semaphore, #tpu.memory_space<semaphore_mem>>
      %dma_start3A_104 = arith.constant 0 : i32
      %dma_start3A_105 = arith.constant 0 : i32
      %dma_start3A_106 = tpu.memref_slice %arg3[%add3A, %dma_start3A_104, %dma_start3A_105] : memref<32x125x80xi32, #tpu.memory_space<hbm>> -> memref<1x125x80xi32, #tpu.memory_space<hbm>>
      %dma_start3A_107 = tpu.memref_squeeze %dma_start3A_106 : memref<1x125x80xi32, #tpu.memory_space<hbm>> -> memref<125x80xi32, #tpu.memory_space<hbm>>
      %dma_start3A_108 = arith.constant 0 : i32
      %dma_start3A_109 = arith.constant 0 : i32
      %dma_start3A_110 = tpu.memref_slice %arg3[%add3A, %dma_start3A_108, %dma_start3A_109] : memref<32x125x80xi32, #tpu.memory_space<hbm>> -> memref<1x125x80xi32, #tpu.memory_space<hbm>>
      %dma_start3A_111 = tpu.memref_squeeze %dma_start3A_110 : memref<1x125x80xi32, #tpu.memory_space<hbm>> -> memref<125x80xi32, #tpu.memory_space<hbm>>
      tpu.enqueue_dma source(%dma_start3A_111 : memref<125x80xi32, #tpu.memory_space<hbm>>) target(%arg7 : memref<125x80xi32, #tpu.memory_space<vmem>>) target_semaphore(%run_scoped3A : memref<!tpu.dma_semaphore, #tpu.memory_space<semaphore_mem>>)
      %dma_wait3A_112 = arith.constant 0 : i32
      %dma_wait3A_113 = arith.constant 0 : i32
      %dma_wait3A_114 = tpu.memref_slice %arg3[%add3A, %dma_wait3A_112, %dma_wait3A_113] : memref<32x125x80xi32, #tpu.memory_space<hbm>> -> memref<1x125x80xi32, #tpu.memory_space<hbm>>
      %dma_wait3A_115 = tpu.memref_squeeze %dma_wait3A_114 : memref<1x125x80xi32, #tpu.memory_space<hbm>> -> memref<125x80xi32, #tpu.memory_space<hbm>>
      %dma_wait3A_116 = arith.constant 0 : i32
      %dma_wait3A_117 = arith.constant 0 : i32
      %dma_wait3A_118 = tpu.memref_slice %arg3[%add3A, %dma_wait3A_116, %dma_wait3A_117] : memref<32x125x80xi32, #tpu.memory_space<hbm>> -> memref<1x125x80xi32, #tpu.memory_space<hbm>>
      %dma_wait3A_119 = tpu.memref_squeeze %dma_wait3A_118 : memref<1x125x80xi32, #tpu.memory_space<hbm>> -> memref<125x80xi32, #tpu.memory_space<hbm>>
      tpu.wait_dma2 semaphore(%run_scoped3A : memref<!tpu.dma_semaphore, #tpu.memory_space<semaphore_mem>>) src(%dma_wait3A_119 : memref<125x80xi32, #tpu.memory_space<hbm>>) dst(%arg7 : memref<125x80xi32, #tpu.memory_space<vmem>>)
      tpu.yield
    }) : () -> ()
    %barrier3A = arith.constant 0 : index
    tpu.barrier barrier_id(%barrier3A)
    %get3A = arith.constant 0 : i32
    %get3A_3 = arith.index_cast %get3A : i32 to index
    %get3A_4 = arith.constant 0 : index
    %get3A_5 = tpu.vector_load %arg7[%get3A_3, %get3A_4] {strides = array<i32>} : memref<125x80xi32, #tpu.memory_space<vmem>>, vector<1x16xi32>,
    %get3A_6 = vector.shape_cast %get3A_5 : vector<1x16xi32> to vector<16xi32>
    %and3A = arith.constant 16383 : i32
    %and3A_7 = vector.broadcast %and3A : i32 to vector<16xi32>
    %and3A_8 = arith.andi %get3A_6, %and3A_7 : vector<16xi32>
    %swap3A = arith.constant 0 : index
    %swap3A_9 = tpu.vector_load %arg8[%swap3A] {strides = array<i32>} : memref<80xi32, #tpu.memory_space<vmem>>, vector<16xi32>,
    %swap3A_10 = vector.shape_cast %swap3A_9 : vector<16xi32> to vector<16xi32>
    %swap3A_11 = vector.shape_cast %and3A_8 : vector<16xi32> to vector<16xi32>
    tpu.vector_store %arg8[%swap3A], %swap3A_11 {strides = array<i32>} : memref<80xi32, #tpu.memory_space<vmem>>, vector<16xi32>,
    %shift_right_logical3A = arith.constant 14 : i32
    %shift_right_logical3A_12 = vector.broadcast %shift_right_logical3A : i32 to vector<16xi32>
    %shift_right_logical3A_13 = arith.shrui %get3A_6, %shift_right_logical3A_12 : vector<16xi32>
    %swap3A_14 = arith.constant 0 : index
    %swap3A_15 = tpu.vector_load %arg9[%swap3A_14] {strides = array<i32>} : memref<80xi32, #tpu.memory_space<vmem>>, vector<16xi32>,
    %swap3A_16 = vector.shape_cast %swap3A_15 : vector<16xi32> to vector<16xi32>
    %swap3A_17 = vector.shape_cast %shift_right_logical3A_13 : vector<16xi32> to vector<16xi32>
    tpu.vector_store %arg9[%swap3A_14], %swap3A_17 {strides = array<i32>} : memref<80xi32, #tpu.memory_space<vmem>>, vector<16xi32>,
    %get3A_18 = arith.constant 0 : i32
    %get3A_19 = arith.index_cast %get3A_18 : i32 to index
    %get3A_20 = arith.constant 16 : index
    %get3A_21 = tpu.vector_load %arg7[%get3A_19, %get3A_20] {strides = array<i32>} : memref<125x80xi32, #tpu.memory_space<vmem>>, vector<1x16xi32>,
    %get3A_22 = vector.shape_cast %get3A_21 : vector<1x16xi32> to vector<16xi32>
    %and3A_23 = arith.constant 16383 : i32
    %and3A_24 = vector.broadcast %and3A_23 : i32 to vector<16xi32>
    %and3A_25 = arith.andi %get3A_22, %and3A_24 : vector<16xi32>
    %swap3A_26 = arith.constant 16 : index
    %swap3A_27 = tpu.vector_load %arg8[%swap3A_26] {strides = array<i32>} : memref<80xi32, #tpu.memory_space<vmem>>, vector<16xi32>,
    %swap3A_28 = vector.shape_cast %swap3A_27 : vector<16xi32> to vector<16xi32>
    %swap3A_29 = vector.shape_cast %and3A_25 : vector<16xi32> to vector<16xi32>
    tpu.vector_store %arg8[%swap3A_26], %swap3A_29 {strides = array<i32>} : memref<80xi32, #tpu.memory_space<vmem>>, vector<16xi32>,
    %shift_right_logical3A_30 = arith.constant 14 : i32
    %shift_right_logical3A_31 = vector.broadcast %shift_right_logical3A_30 : i32 to vector<16xi32>
    %shift_right_logical3A_32 = arith.shrui %get3A_22, %shift_right_logical3A_31 : vector<16xi32>
    %swap3A_33 = arith.constant 16 : index
    %swap3A_34 = tpu.vector_load %arg9[%swap3A_33] {strides = array<i32>} : memref<80xi32, #tpu.memory_space<vmem>>, vector<16xi32>,
    %swap3A_35 = vector.shape_cast %swap3A_34 : vector<16xi32> to vector<16xi32>
    %swap3A_36 = vector.shape_cast %shift_right_logical3A_32 : vector<16xi32> to vector<16xi32>
    tpu.vector_store %arg9[%swap3A_33], %swap3A_36 {strides = array<i32>} : memref<80xi32, #tpu.memory_space<vmem>>, vector<16xi32>,
    %get3A_37 = arith.constant 0 : i32
    %get3A_38 = arith.index_cast %get3A_37 : i32 to index
    %get3A_39 = arith.constant 32 : index
    %get3A_40 = tpu.vector_load %arg7[%get3A_38, %get3A_39] {strides = array<i32>} : memref<125x80xi32, #tpu.memory_space<vmem>>, vector<1x16xi32>,
    %get3A_41 = vector.shape_cast %get3A_40 : vector<1x16xi32> to vector<16xi32>
    %and3A_42 = arith.constant 16383 : i32
    %and3A_43 = vector.broadcast %and3A_42 : i32 to vector<16xi32>
    %and3A_44 = arith.andi %get3A_41, %and3A_43 : vector<16xi32>
    %swap3A_45 = arith.constant 32 : index
    %swap3A_46 = tpu.vector_load %arg8[%swap3A_45] {strides = array<i32>} : memref<80xi32, #tpu.memory_space<vmem>>, vector<16xi32>,
    %swap3A_47 = vector.shape_cast %swap3A_46 : vector<16xi32> to vector<16xi32>
    %swap3A_48 = vector.shape_cast %and3A_44 : vector<16xi32> to vector<16xi32>
    tpu.vector_store %arg8[%swap3A_45], %swap3A_48 {strides = array<i32>} : memref<80xi32, #tpu.memory_space<vmem>>, vector<16xi32>,
    %shift_right_logical3A_49 = arith.constant 14 : i32
    %shift_right_logical3A_50 = vector.broadcast %shift_right_logical3A_49 : i32 to vector<16xi32>
    %shift_right_logical3A_51 = arith.shrui %get3A_41, %shift_right_logical3A_50 : vector<16xi32>
    %swap3A_52 = arith.constant 32 : index
    %swap3A_53 = tpu.vector_load %arg9[%swap3A_52] {strides = array<i32>} : memref<80xi32, #tpu.memory_space<vmem>>, vector<16xi32>,
    %swap3A_54 = vector.shape_cast %swap3A_53 : vector<16xi32> to vector<16xi32>
    %swap3A_55 = vector.shape_cast %shift_right_logical3A_51 : vector<16xi32> to vector<16xi32>
    tpu.vector_store %arg9[%swap3A_52], %swap3A_55 {strides = array<i32>} : memref<80xi32, #tpu.memory_space<vmem>>, vector<16xi32>,
    %get3A_56 = arith.constant 0 : i32
    %get3A_57 = arith.index_cast %get3A_56 : i32 to index
    %get3A_58 = arith.constant 48 : index
    %get3A_59 = tpu.vector_load %arg7[%get3A_57, %get3A_58] {strides = array<i32>} : memref<125x80xi32, #tpu.memory_space<vmem>>, vector<1x16xi32>,
    %get3A_60 = vector.shape_cast %get3A_59 : vector<1x16xi32> to vector<16xi32>
    %and3A_61 = arith.constant 16383 : i32
    %and3A_62 = vector.broadcast %and3A_61 : i32 to vector<16xi32>
    %and3A_63 = arith.andi %get3A_60, %and3A_62 : vector<16xi32>
    %swap3A_64 = arith.constant 48 : index
    %swap3A_65 = tpu.vector_load %arg8[%swap3A_64] {strides = array<i32>} : memref<80xi32, #tpu.memory_space<vmem>>, vector<16xi32>,
    %swap3A_66 = vector.shape_cast %swap3A_65 : vector<16xi32> to vector<16xi32>
    %swap3A_67 = vector.shape_cast %and3A_63 : vector<16xi32> to vector<16xi32>
    tpu.vector_store %arg8[%swap3A_64], %swap3A_67 {strides = array<i32>} : memref<80xi32, #tpu.memory_space<vmem>>, vector<16xi32>,
    %shift_right_logical3A_68 = arith.constant 14 : i32
    %shift_right_logical3A_69 = vector.broadcast %shift_right_logical3A_68 : i32 to vector<16xi32>
    %shift_right_logical3A_70 = arith.shrui %get3A_60, %shift_right_logical3A_69 : vector<16xi32>
    %swap3A_71 = arith.constant 48 : index
    %swap3A_72 = tpu.vector_load %arg9[%swap3A_71] {strides = array<i32>} : memref<80xi32, #tpu.memory_space<vmem>>, vector<16xi32>,
    %swap3A_73 = vector.shape_cast %swap3A_72 : vector<16xi32> to vector<16xi32>
    %swap3A_74 = vector.shape_cast %shift_right_logical3A_70 : vector<16xi32> to vector<16xi32>
    tpu.vector_store %arg9[%swap3A_71], %swap3A_74 {strides = array<i32>} : memref<80xi32, #tpu.memory_space<vmem>>, vector<16xi32>,
    %get3A_75 = arith.constant 0 : i32
    %get3A_76 = arith.index_cast %get3A_75 : i32 to index
    %get3A_77 = arith.constant 64 : index
    %get3A_78 = tpu.vector_load %arg7[%get3A_76, %get3A_77] {strides = array<i32>} : memref<125x80xi32, #tpu.memory_space<vmem>>, vector<1x16xi32>,
    %get3A_79 = vector.shape_cast %get3A_78 : vector<1x16xi32> to vector<16xi32>
    %and3A_80 = arith.constant 16383 : i32
    %and3A_81 = vector.broadcast %and3A_80 : i32 to vector<16xi32>
    %and3A_82 = arith.andi %get3A_79, %and3A_81 : vector<16xi32>
    %swap3A_83 = arith.constant 64 : index
    %swap3A_84 = tpu.vector_load %arg8[%swap3A_83] {strides = array<i32>} : memref<80xi32, #tpu.memory_space<vmem>>, vector<16xi32>,
    %swap3A_85 = vector.shape_cast %swap3A_84 : vector<16xi32> to vector<16xi32>
    %swap3A_86 = vector.shape_cast %and3A_82 : vector<16xi32> to vector<16xi32>
    tpu.vector_store %arg8[%swap3A_83], %swap3A_86 {strides = array<i32>} : memref<80xi32, #tpu.memory_space<vmem>>, vector<16xi32>,
    %shift_right_logical3A_87 = arith.constant 14 : i32
    %shift_right_logical3A_88 = vector.broadcast %shift_right_logical3A_87 : i32 to vector<16xi32>
    %shift_right_logical3A_89 = arith.shrui %get3A_79, %shift_right_logical3A_88 : vector<16xi32>
    %swap3A_90 = arith.constant 64 : index
    %swap3A_91 = tpu.vector_load %arg9[%swap3A_90] {strides = array<i32>} : memref<80xi32, #tpu.memory_space<vmem>>, vector<16xi32>,
    %swap3A_92 = vector.shape_cast %swap3A_91 : vector<16xi32> to vector<16xi32>
    %swap3A_93 = vector.shape_cast %shift_right_logical3A_89 : vector<16xi32> to vector<16xi32>
    tpu.vector_store %arg9[%swap3A_90], %swap3A_93 {strides = array<i32>} : memref<80xi32, #tpu.memory_space<vmem>>, vector<16xi32>,
    %dma_start3A = arith.constant 0 : i32
    %dma_start3A_94 = arith.constant 0 : i32
    %dma_start3A_95 = tpu.memref_slice %arg2[%dma_start3A, %dma_start3A_94] : memref<10000x128xf32, #tpu.memory_space<hbm>> -> memref<10000x128xf32, #tpu.memory_space<hbm>>
    tpu.enqueue_indirect_dma source(%dma_start3A_95 : memref<10000x128xf32, #tpu.memory_space<hbm>>) target(%arg12 : memref<80x128xf32, #tpu.memory_space<vmem>>) offsets(%arg8 : memref<80xi32, #tpu.memory_space<vmem>>) semaphore(%arg14 : memref<!tpu.dma_semaphore, #tpu.memory_space<semaphore_mem>>)
    %scan3A = arith.constant 0 : i32
    %scan3A_96 = arith.constant 0 : i32
    %scan3A_97 = arith.constant 62 : i32
    %scan3A_98 = arith.addi %scan3A_96, %scan3A_97 : i32
    %scan3A_99 = arith.constant 1 : i32
    scf.for %scan3A_104 = %scan3A_96 to %scan3A_98 step %scan3A_99  : i32 {
      %mul3A_105 = arith.constant 2 : i32
      %mul3A_106 = arith.muli %mul3A_105, %scan3A_104 : i32
      %add3A_107 = arith.constant 1 : i32
      %add3A_108 = arith.addi %mul3A_106, %add3A_107 : i32
      %get3A_109 = arith.index_cast %add3A_108 : i32 to index
      %get3A_110 = arith.constant 0 : index
      %get3A_111 = tpu.vector_load %arg7[%get3A_109, %get3A_110] {strides = array<i32>} : memref<125x80xi32, #tpu.memory_space<vmem>>, vector<1x16xi32>,
      %get3A_112 = vector.shape_cast %get3A_111 : vector<1x16xi32> to vector<16xi32>
      %and3A_113 = arith.constant 16383 : i32
      %and3A_114 = vector.broadcast %and3A_113 : i32 to vector<16xi32>
      %and3A_115 = arith.andi %get3A_112, %and3A_114 : vector<16xi32>
      %swap3A_116 = arith.constant 0 : index
      %swap3A_117 = tpu.vector_load %arg10[%swap3A_116] {strides = array<i32>} : memref<80xi32, #tpu.memory_space<vmem>>, vector<16xi32>,
      %swap3A_118 = vector.shape_cast %swap3A_117 : vector<16xi32> to vector<16xi32>
      %swap3A_119 = vector.shape_cast %and3A_115 : vector<16xi32> to vector<16xi32>
      tpu.vector_store %arg10[%swap3A_116], %swap3A_119 {strides = array<i32>} : memref<80xi32, #tpu.memory_space<vmem>>, vector<16xi32>,
      %shift_right_logical3A_120 = arith.constant 14 : i32
      %shift_right_logical3A_121 = vector.broadcast %shift_right_logical3A_120 : i32 to vector<16xi32>
      %shift_right_logical3A_122 = arith.shrui %get3A_112, %shift_right_logical3A_121 : vector<16xi32>
      %swap3A_123 = arith.constant 0 : index
      %swap3A_124 = tpu.vector_load %arg11[%swap3A_123] {strides = array<i32>} : memref<80xi32, #tpu.memory_space<vmem>>, vector<16xi32>,
      %swap3A_125 = vector.shape_cast %swap3A_124 : vector<16xi32> to vector<16xi32>
      %swap3A_126 = vector.shape_cast %shift_right_logical3A_122 : vector<16xi32> to vector<16xi32>
      tpu.vector_store %arg11[%swap3A_123], %swap3A_126 {strides = array<i32>} : memref<80xi32, #tpu.memory_space<vmem>>, vector<16xi32>,
      %get3A_127 = arith.index_cast %add3A_108 : i32 to index
      %get3A_128 = arith.constant 16 : index
      %get3A_129 = tpu.vector_load %arg7[%get3A_127, %get3A_128] {strides = array<i32>} : memref<125x80xi32, #tpu.memory_space<vmem>>, vector<1x16xi32>,
      %get3A_130 = vector.shape_cast %get3A_129 : vector<1x16xi32> to vector<16xi32>
      %and3A_131 = arith.constant 16383 : i32
      %and3A_132 = vector.broadcast %and3A_131 : i32 to vector<16xi32>
      %and3A_133 = arith.andi %get3A_130, %and3A_132 : vector<16xi32>
      %swap3A_134 = arith.constant 16 : index
      %swap3A_135 = tpu.vector_load %arg10[%swap3A_134] {strides = array<i32>} : memref<80xi32, #tpu.memory_space<vmem>>, vector<16xi32>,
      %swap3A_136 = vector.shape_cast %swap3A_135 : vector<16xi32> to vector<16xi32>
      %swap3A_137 = vector.shape_cast %and3A_133 : vector<16xi32> to vector<16xi32>
      tpu.vector_store %arg10[%swap3A_134], %swap3A_137 {strides = array<i32>} : memref<80xi32, #tpu.memory_space<vmem>>, vector<16xi32>,
      %shift_right_logical3A_138 = arith.constant 14 : i32
      %shift_right_logical3A_139 = vector.broadcast %shift_right_logical3A_138 : i32 to vector<16xi32>
      %shift_right_logical3A_140 = arith.shrui %get3A_130, %shift_right_logical3A_139 : vector<16xi32>
      %swap3A_141 = arith.constant 16 : index
      %swap3A_142 = tpu.vector_load %arg11[%swap3A_141] {strides = array<i32>} : memref<80xi32, #tpu.memory_space<vmem>>, vector<16xi32>,
      %swap3A_143 = vector.shape_cast %swap3A_142 : vector<16xi32> to vector<16xi32>
      %swap3A_144 = vector.shape_cast %shift_right_logical3A_140 : vector<16xi32> to vector<16xi32>
      tpu.vector_store %arg11[%swap3A_141], %swap3A_144 {strides = array<i32>} : memref<80xi32, #tpu.memory_space<vmem>>, vector<16xi32>,
      %get3A_145 = arith.index_cast %add3A_108 : i32 to index
      %get3A_146 = arith.constant 32 : index
      %get3A_147 = tpu.vector_load %arg7[%get3A_145, %get3A_146] {strides = array<i32>} : memref<125x80xi32, #tpu.memory_space<vmem>>, vector<1x16xi32>,
      %get3A_148 = vector.shape_cast %get3A_147 : vector<1x16xi32> to vector<16xi32>
      %and3A_149 = arith.constant 16383 : i32
      %and3A_150 = vector.broadcast %and3A_149 : i32 to vector<16xi32>
      %and3A_151 = arith.andi %get3A_148, %and3A_150 : vector<16xi32>
      %swap3A_152 = arith.constant 32 : index
      %swap3A_153 = tpu.vector_load %arg10[%swap3A_152] {strides = array<i32>} : memref<80xi32, #tpu.memory_space<vmem>>, vector<16xi32>,
      %swap3A_154 = vector.shape_cast %swap3A_153 : vector<16xi32> to vector<16xi32>
      %swap3A_155 = vector.shape_cast %and3A_151 : vector<16xi32> to vector<16xi32>
      tpu.vector_store %arg10[%swap3A_152], %swap3A_155 {strides = array<i32>} : memref<80xi32, #tpu.memory_space<vmem>>, vector<16xi32>,
      %shift_right_logical3A_156 = arith.constant 14 : i32
      %shift_right_logical3A_157 = vector.broadcast %shift_right_logical3A_156 : i32 to vector<16xi32>
      %shift_right_logical3A_158 = arith.shrui %get3A_148, %shift_right_logical3A_157 : vector<16xi32>
      %swap3A_159 = arith.constant 32 : index
      %swap3A_160 = tpu.vector_load %arg11[%swap3A_159] {strides = array<i32>} : memref<80xi32, #tpu.memory_space<vmem>>, vector<16xi32>,
      %swap3A_161 = vector.shape_cast %swap3A_160 : vector<16xi32> to vector<16xi32>
      %swap3A_162 = vector.shape_cast %shift_right_logical3A_158 : vector<16xi32> to vector<16xi32>
      tpu.vector_store %arg11[%swap3A_159], %swap3A_162 {strides = array<i32>} : memref<80xi32, #tpu.memory_space<vmem>>, vector<16xi32>,
      %get3A_163 = arith.index_cast %add3A_108 : i32 to index
      %get3A_164 = arith.constant 48 : index
      %get3A_165 = tpu.vector_load %arg7[%get3A_163, %get3A_164] {strides = array<i32>} : memref<125x80xi32, #tpu.memory_space<vmem>>, vector<1x16xi32>,
      %get3A_166 = vector.shape_cast %get3A_165 : vector<1x16xi32> to vector<16xi32>
      %and3A_167 = arith.constant 16383 : i32
      %and3A_168 = vector.broadcast %and3A_167 : i32 to vector<16xi32>
      %and3A_169 = arith.andi %get3A_166, %and3A_168 : vector<16xi32>
      %swap3A_170 = arith.constant 48 : index
      %swap3A_171 = tpu.vector_load %arg10[%swap3A_170] {strides = array<i32>} : memref<80xi32, #tpu.memory_space<vmem>>, vector<16xi32>,
      %swap3A_172 = vector.shape_cast %swap3A_171 : vector<16xi32> to vector<16xi32>
      %swap3A_173 = vector.shape_cast %and3A_169 : vector<16xi32> to vector<16xi32>
      tpu.vector_store %arg10[%swap3A_170], %swap3A_173 {strides = array<i32>} : memref<80xi32, #tpu.memory_space<vmem>>, vector<16xi32>,
      %shift_right_logical3A_174 = arith.constant 14 : i32
      %shift_right_logical3A_175 = vector.broadcast %shift_right_logical3A_174 : i32 to vector<16xi32>
      %shift_right_logical3A_176 = arith.shrui %get3A_166, %shift_right_logical3A_175 : vector<16xi32>
      %swap3A_177 = arith.constant 48 : index
      %swap3A_178 = tpu.vector_load %arg11[%swap3A_177] {strides = array<i32>} : memref<80xi32, #tpu.memory_space<vmem>>, vector<16xi32>,
      %swap3A_179 = vector.shape_cast %swap3A_178 : vector<16xi32> to vector<16xi32>
      %swap3A_180 = vector.shape_cast %shift_right_logical3A_176 : vector<16xi32> to vector<16xi32>
      tpu.vector_store %arg11[%swap3A_177], %swap3A_180 {strides = array<i32>} : memref<80xi32, #tpu.memory_space<vmem>>, vector<16xi32>,
      %get3A_181 = arith.index_cast %add3A_108 : i32 to index
      %get3A_182 = arith.constant 64 : index
      %get3A_183 = tpu.vector_load %arg7[%get3A_181, %get3A_182] {strides = array<i32>} : memref<125x80xi32, #tpu.memory_space<vmem>>, vector<1x16xi32>,
      %get3A_184 = vector.shape_cast %get3A_183 : vector<1x16xi32> to vector<16xi32>
      %and3A_185 = arith.constant 16383 : i32
      %and3A_186 = vector.broadcast %and3A_185 : i32 to vector<16xi32>
      %and3A_187 = arith.andi %get3A_184, %and3A_186 : vector<16xi32>
      %swap3A_188 = arith.constant 64 : index
      %swap3A_189 = tpu.vector_load %arg10[%swap3A_188] {strides = array<i32>} : memref<80xi32, #tpu.memory_space<vmem>>, vector<16xi32>,
      %swap3A_190 = vector.shape_cast %swap3A_189 : vector<16xi32> to vector<16xi32>
      %swap3A_191 = vector.shape_cast %and3A_187 : vector<16xi32> to vector<16xi32>
      tpu.vector_store %arg10[%swap3A_188], %swap3A_191 {strides = array<i32>} : memref<80xi32, #tpu.memory_space<vmem>>, vector<16xi32>,
      %shift_right_logical3A_192 = arith.constant 14 : i32
      %shift_right_logical3A_193 = vector.broadcast %shift_right_logical3A_192 : i32 to vector<16xi32>
      %shift_right_logical3A_194 = arith.shrui %get3A_184, %shift_right_logical3A_193 : vector<16xi32>
      %swap3A_195 = arith.constant 64 : index
      %swap3A_196 = tpu.vector_load %arg11[%swap3A_195] {strides = array<i32>} : memref<80xi32, #tpu.memory_space<vmem>>, vector<16xi32>,
      %swap3A_197 = vector.shape_cast %swap3A_196 : vector<16xi32> to vector<16xi32>
      %swap3A_198 = vector.shape_cast %shift_right_logical3A_194 : vector<16xi32> to vector<16xi32>
      tpu.vector_store %arg11[%swap3A_195], %swap3A_198 {strides = array<i32>} : memref<80xi32, #tpu.memory_space<vmem>>, vector<16xi32>,
      %dma_start3A_199 = arith.constant 0 : i32
      %dma_start3A_200 = arith.constant 0 : i32
      %dma_start3A_201 = tpu.memref_slice %arg2[%dma_start3A_199, %dma_start3A_200] : memref<10000x128xf32, #tpu.memory_space<hbm>> -> memref<10000x128xf32, #tpu.memory_space<hbm>>
      tpu.enqueue_indirect_dma source(%dma_start3A_201 : memref<10000x128xf32, #tpu.memory_space<hbm>>) target(%arg13 : memref<80x128xf32, #tpu.memory_space<vmem>>) offsets(%arg10 : memref<80xi32, #tpu.memory_space<vmem>>) semaphore(%arg15 : memref<!tpu.dma_semaphore, #tpu.memory_space<semaphore_mem>>)
      %dma_wait3A_202 = arith.constant 0 : i32
      %dma_wait3A_203 = arith.constant 0 : i32
      %dma_wait3A_204 = tpu.memref_slice %arg2[%dma_wait3A_202, %dma_wait3A_203] : memref<10000x128xf32, #tpu.memory_space<hbm>> -> memref<10000x128xf32, #tpu.memory_space<hbm>>
      tpu.wait_indirect_dma semaphore(%arg14 : memref<!tpu.dma_semaphore, #tpu.memory_space<semaphore_mem>>) src(%dma_wait3A_204 : memref<10000x128xf32, #tpu.memory_space<hbm>>) dst(%arg12 : memref<80x128xf32, #tpu.memory_space<vmem>>)
      "tpu.region"() ({
        %run_scoped3A = tpu.sem_alloc : memref<!tpu.dma_semaphore, #tpu.memory_space<semaphore_mem>>
        %dma_start3A_303 = arith.constant 0 : i32
        %dma_start3A_304 = arith.constant 0 : i32
        %dma_start3A_305 = tpu.memref_slice %arg6[%dma_start3A_303, %dma_start3A_304] : memref<10240x128xf32, #tpu.memory_space<vmem_shared>> -> memref<10240x128xf32, #tpu.memory_space<vmem_shared>>
        tpu.enqueue_indirect_dma source(%arg12 : memref<80x128xf32, #tpu.memory_space<vmem>>) target(%dma_start3A_305 : memref<10240x128xf32, #tpu.memory_space<vmem_shared>>) offsets(%arg9 : memref<80xi32, #tpu.memory_space<vmem>>) semaphore(%run_scoped3A : memref<!tpu.dma_semaphore, #tpu.memory_space<semaphore_mem>>) {add = true}
        %dma_wait3A_306 = arith.constant 0 : i32
        %dma_wait3A_307 = arith.constant 0 : i32
        %dma_wait3A_308 = tpu.memref_slice %arg6[%dma_wait3A_306, %dma_wait3A_307] : memref<10240x128xf32, #tpu.memory_space<vmem_shared>> -> memref<10240x128xf32, #tpu.memory_space<vmem_shared>>
        tpu.wait_indirect_dma semaphore(%run_scoped3A : memref<!tpu.dma_semaphore, #tpu.memory_space<semaphore_mem>>) src(%arg12 : memref<80x128xf32, #tpu.memory_space<vmem>>) dst(%dma_wait3A_308 : memref<10240x128xf32, #tpu.memory_space<vmem_shared>>)
        tpu.yield
      }) : () -> ()
      %add3A_205 = arith.constant 2 : i32
      %add3A_206 = arith.addi %mul3A_106, %add3A_205 : i32
      %get3A_207 = arith.index_cast %add3A_206 : i32 to index
      %get3A_208 = arith.constant 0 : index
      %get3A_209 = tpu.vector_load %arg7[%get3A_207, %get3A_208] {strides = array<i32>} : memref<125x80xi32, #tpu.memory_space<vmem>>, vector<1x16xi32>,
      %get3A_210 = vector.shape_cast %get3A_209 : vector<1x16xi32> to vector<16xi32>
      %and3A_211 = arith.constant 16383 : i32
      %and3A_212 = vector.broadcast %and3A_211 : i32 to vector<16xi32>
      %and3A_213 = arith.andi %get3A_210, %and3A_212 : vector<16xi32>
      %swap3A_214 = arith.constant 0 : index
      %swap3A_215 = tpu.vector_load %arg8[%swap3A_214] {strides = array<i32>} : memref<80xi32, #tpu.memory_space<vmem>>, vector<16xi32>,
      %swap3A_216 = vector.shape_cast %swap3A_215 : vector<16xi32> to vector<16xi32>
      %swap3A_217 = vector.shape_cast %and3A_213 : vector<16xi32> to vector<16xi32>
      tpu.vector_store %arg8[%swap3A_214], %swap3A_217 {strides = array<i32>} : memref<80xi32, #tpu.memory_space<vmem>>, vector<16xi32>,
      %shift_right_logical3A_218 = arith.constant 14 : i32
      %shift_right_logical3A_219 = vector.broadcast %shift_right_logical3A_218 : i32 to vector<16xi32>
      %shift_right_logical3A_220 = arith.shrui %get3A_210, %shift_right_logical3A_219 : vector<16xi32>
      %swap3A_221 = arith.constant 0 : index
      %swap3A_222 = tpu.vector_load %arg9[%swap3A_221] {strides = array<i32>} : memref<80xi32, #tpu.memory_space<vmem>>, vector<16xi32>,
      %swap3A_223 = vector.shape_cast %swap3A_222 : vector<16xi32> to vector<16xi32>
      %swap3A_224 = vector.shape_cast %shift_right_logical3A_220 : vector<16xi32> to vector<16xi32>
      tpu.vector_store %arg9[%swap3A_221], %swap3A_224 {strides = array<i32>} : memref<80xi32, #tpu.memory_space<vmem>>, vector<16xi32>,
      %get3A_225 = arith.index_cast %add3A_206 : i32 to index
      %get3A_226 = arith.constant 16 : index
      %get3A_227 = tpu.vector_load %arg7[%get3A_225, %get3A_226] {strides = array<i32>} : memref<125x80xi32, #tpu.memory_space<vmem>>, vector<1x16xi32>,
      %get3A_228 = vector.shape_cast %get3A_227 : vector<1x16xi32> to vector<16xi32>
      %and3A_229 = arith.constant 16383 : i32
      %and3A_230 = vector.broadcast %and3A_229 : i32 to vector<16xi32>
      %and3A_231 = arith.andi %get3A_228, %and3A_230 : vector<16xi32>
      %swap3A_232 = arith.constant 16 : index
      %swap3A_233 = tpu.vector_load %arg8[%swap3A_232] {strides = array<i32>} : memref<80xi32, #tpu.memory_space<vmem>>, vector<16xi32>,
      %swap3A_234 = vector.shape_cast %swap3A_233 : vector<16xi32> to vector<16xi32>
      %swap3A_235 = vector.shape_cast %and3A_231 : vector<16xi32> to vector<16xi32>
      tpu.vector_store %arg8[%swap3A_232], %swap3A_235 {strides = array<i32>} : memref<80xi32, #tpu.memory_space<vmem>>, vector<16xi32>,
      %shift_right_logical3A_236 = arith.constant 14 : i32
      %shift_right_logical3A_237 = vector.broadcast %shift_right_logical3A_236 : i32 to vector<16xi32>
      %shift_right_logical3A_238 = arith.shrui %get3A_228, %shift_right_logical3A_237 : vector<16xi32>
      %swap3A_239 = arith.constant 16 : index
      %swap3A_240 = tpu.vector_load %arg9[%swap3A_239] {strides = array<i32>} : memref<80xi32, #tpu.memory_space<vmem>>, vector<16xi32>,
      %swap3A_241 = vector.shape_cast %swap3A_240 : vector<16xi32> to vector<16xi32>
      %swap3A_242 = vector.shape_cast %shift_right_logical3A_238 : vector<16xi32> to vector<16xi32>
      tpu.vector_store %arg9[%swap3A_239], %swap3A_242 {strides = array<i32>} : memref<80xi32, #tpu.memory_space<vmem>>, vector<16xi32>,
      %get3A_243 = arith.index_cast %add3A_206 : i32 to index
      %get3A_244 = arith.constant 32 : index
      %get3A_245 = tpu.vector_load %arg7[%get3A_243, %get3A_244] {strides = array<i32>} : memref<125x80xi32, #tpu.memory_space<vmem>>, vector<1x16xi32>,
      %get3A_246 = vector.shape_cast %get3A_245 : vector<1x16xi32> to vector<16xi32>
      %and3A_247 = arith.constant 16383 : i32
      %and3A_248 = vector.broadcast %and3A_247 : i32 to vector<16xi32>
      %and3A_249 = arith.andi %get3A_246, %and3A_248 : vector<16xi32>
      %swap3A_250 = arith.constant 32 : index
      %swap3A_251 = tpu.vector_load %arg8[%swap3A_250] {strides = array<i32>} : memref<80xi32, #tpu.memory_space<vmem>>, vector<16xi32>,
      %swap3A_252 = vector.shape_cast %swap3A_251 : vector<16xi32> to vector<16xi32>
      %swap3A_253 = vector.shape_cast %and3A_249 : vector<16xi32> to vector<16xi32>
      tpu.vector_store %arg8[%swap3A_250], %swap3A_253 {strides = array<i32>} : memref<80xi32, #tpu.memory_space<vmem>>, vector<16xi32>,
      %shift_right_logical3A_254 = arith.constant 14 : i32
      %shift_right_logical3A_255 = vector.broadcast %shift_right_logical3A_254 : i32 to vector<16xi32>
      %shift_right_logical3A_256 = arith.shrui %get3A_246, %shift_right_logical3A_255 : vector<16xi32>
      %swap3A_257 = arith.constant 32 : index
      %swap3A_258 = tpu.vector_load %arg9[%swap3A_257] {strides = array<i32>} : memref<80xi32, #tpu.memory_space<vmem>>, vector<16xi32>,
      %swap3A_259 = vector.shape_cast %swap3A_258 : vector<16xi32> to vector<16xi32>
      %swap3A_260 = vector.shape_cast %shift_right_logical3A_256 : vector<16xi32> to vector<16xi32>
      tpu.vector_store %arg9[%swap3A_257], %swap3A_260 {strides = array<i32>} : memref<80xi32, #tpu.memory_space<vmem>>, vector<16xi32>,
      %get3A_261 = arith.index_cast %add3A_206 : i32 to index
      %get3A_262 = arith.constant 48 : index
      %get3A_263 = tpu.vector_load %arg7[%get3A_261, %get3A_262] {strides = array<i32>} : memref<125x80xi32, #tpu.memory_space<vmem>>, vector<1x16xi32>,
      %get3A_264 = vector.shape_cast %get3A_263 : vector<1x16xi32> to vector<16xi32>
      %and3A_265 = arith.constant 16383 : i32
      %and3A_266 = vector.broadcast %and3A_265 : i32 to vector<16xi32>
      %and3A_267 = arith.andi %get3A_264, %and3A_266 : vector<16xi32>
      %swap3A_268 = arith.constant 48 : index
      %swap3A_269 = tpu.vector_load %arg8[%swap3A_268] {strides = array<i32>} : memref<80xi32, #tpu.memory_space<vmem>>, vector<16xi32>,
      %swap3A_270 = vector.shape_cast %swap3A_269 : vector<16xi32> to vector<16xi32>
      %swap3A_271 = vector.shape_cast %and3A_267 : vector<16xi32> to vector<16xi32>
      tpu.vector_store %arg8[%swap3A_268], %swap3A_271 {strides = array<i32>} : memref<80xi32, #tpu.memory_space<vmem>>, vector<16xi32>,
      %shift_right_logical3A_272 = arith.constant 14 : i32
      %shift_right_logical3A_273 = vector.broadcast %shift_right_logical3A_272 : i32 to vector<16xi32>
      %shift_right_logical3A_274 = arith.shrui %get3A_264, %shift_right_logical3A_273 : vector<16xi32>
      %swap3A_275 = arith.constant 48 : index
      %swap3A_276 = tpu.vector_load %arg9[%swap3A_275] {strides = array<i32>} : memref<80xi32, #tpu.memory_space<vmem>>, vector<16xi32>,
      %swap3A_277 = vector.shape_cast %swap3A_276 : vector<16xi32> to vector<16xi32>
      %swap3A_278 = vector.shape_cast %shift_right_logical3A_274 : vector<16xi32> to vector<16xi32>
      tpu.vector_store %arg9[%swap3A_275], %swap3A_278 {strides = array<i32>} : memref<80xi32, #tpu.memory_space<vmem>>, vector<16xi32>,
      %get3A_279 = arith.index_cast %add3A_206 : i32 to index
      %get3A_280 = arith.constant 64 : index
      %get3A_281 = tpu.vector_load %arg7[%get3A_279, %get3A_280] {strides = array<i32>} : memref<125x80xi32, #tpu.memory_space<vmem>>, vector<1x16xi32>,
      %get3A_282 = vector.shape_cast %get3A_281 : vector<1x16xi32> to vector<16xi32>
      %and3A_283 = arith.constant 16383 : i32
      %and3A_284 = vector.broadcast %and3A_283 : i32 to vector<16xi32>
      %and3A_285 = arith.andi %get3A_282, %and3A_284 : vector<16xi32>
      %swap3A_286 = arith.constant 64 : index
      %swap3A_287 = tpu.vector_load %arg8[%swap3A_286] {strides = array<i32>} : memref<80xi32, #tpu.memory_space<vmem>>, vector<16xi32>,
      %swap3A_288 = vector.shape_cast %swap3A_287 : vector<16xi32> to vector<16xi32>
      %swap3A_289 = vector.shape_cast %and3A_285 : vector<16xi32> to vector<16xi32>
      tpu.vector_store %arg8[%swap3A_286], %swap3A_289 {strides = array<i32>} : memref<80xi32, #tpu.memory_space<vmem>>, vector<16xi32>,
      %shift_right_logical3A_290 = arith.constant 14 : i32
      %shift_right_logical3A_291 = vector.broadcast %shift_right_logical3A_290 : i32 to vector<16xi32>
      %shift_right_logical3A_292 = arith.shrui %get3A_282, %shift_right_logical3A_291 : vector<16xi32>
      %swap3A_293 = arith.constant 64 : index
      %swap3A_294 = tpu.vector_load %arg9[%swap3A_293] {strides = array<i32>} : memref<80xi32, #tpu.memory_space<vmem>>, vector<16xi32>,
      %swap3A_295 = vector.shape_cast %swap3A_294 : vector<16xi32> to vector<16xi32>
      %swap3A_296 = vector.shape_cast %shift_right_logical3A_292 : vector<16xi32> to vector<16xi32>
      tpu.vector_store %arg9[%swap3A_293], %swap3A_296 {strides = array<i32>} : memref<80xi32, #tpu.memory_space<vmem>>, vector<16xi32>,
      %dma_start3A_297 = arith.constant 0 : i32
      %dma_start3A_298 = arith.constant 0 : i32
      %dma_start3A_299 = tpu.memref_slice %arg2[%dma_start3A_297, %dma_start3A_298] : memref<10000x128xf32, #tpu.memory_space<hbm>> -> memref<10000x128xf32, #tpu.memory_space<hbm>>
      tpu.enqueue_indirect_dma source(%dma_start3A_299 : memref<10000x128xf32, #tpu.memory_space<hbm>>) target(%arg12 : memref<80x128xf32, #tpu.memory_space<vmem>>) offsets(%arg8 : memref<80xi32, #tpu.memory_space<vmem>>) semaphore(%arg14 : memref<!tpu.dma_semaphore, #tpu.memory_space<semaphore_mem>>)
      %dma_wait3A_300 = arith.constant 0 : i32
      %dma_wait3A_301 = arith.constant 0 : i32
      %dma_wait3A_302 = tpu.memref_slice %arg2[%dma_wait3A_300, %dma_wait3A_301] : memref<10000x128xf32, #tpu.memory_space<hbm>> -> memref<10000x128xf32, #tpu.memory_space<hbm>>
      tpu.wait_indirect_dma semaphore(%arg15 : memref<!tpu.dma_semaphore, #tpu.memory_space<semaphore_mem>>) src(%dma_wait3A_302 : memref<10000x128xf32, #tpu.memory_space<hbm>>) dst(%arg13 : memref<80x128xf32, #tpu.memory_space<vmem>>)
      "tpu.region"() ({
        %run_scoped3A = tpu.sem_alloc : memref<!tpu.dma_semaphore, #tpu.memory_space<semaphore_mem>>
        %dma_start3A_303 = arith.constant 0 : i32
        %dma_start3A_304 = arith.constant 0 : i32
        %dma_start3A_305 = tpu.memref_slice %arg6[%dma_start3A_303, %dma_start3A_304] : memref<10240x128xf32, #tpu.memory_space<vmem_shared>> -> memref<10240x128xf32, #tpu.memory_space<vmem_shared>>
        tpu.enqueue_indirect_dma source(%arg13 : memref<80x128xf32, #tpu.memory_space<vmem>>) target(%dma_start3A_305 : memref<10240x128xf32, #tpu.memory_space<vmem_shared>>) offsets(%arg11 : memref<80xi32, #tpu.memory_space<vmem>>) semaphore(%run_scoped3A : memref<!tpu.dma_semaphore, #tpu.memory_space<semaphore_mem>>) {add = true}
        %dma_wait3A_306 = arith.constant 0 : i32
        %dma_wait3A_307 = arith.constant 0 : i32
        %dma_wait3A_308 = tpu.memref_slice %arg6[%dma_wait3A_306, %dma_wait3A_307] : memref<10240x128xf32, #tpu.memory_space<vmem_shared>> -> memref<10240x128xf32, #tpu.memory_space<vmem_shared>>
        tpu.wait_indirect_dma semaphore(%run_scoped3A : memref<!tpu.dma_semaphore, #tpu.memory_space<semaphore_mem>>) src(%arg13 : memref<80x128xf32, #tpu.memory_space<vmem>>) dst(%dma_wait3A_308 : memref<10240x128xf32, #tpu.memory_space<vmem_shared>>)
        tpu.yield
      }) : () -> ()
    }
    %scan3A_100 = arith.constant 62 : i32
    %dma_wait3A = arith.constant 0 : i32
    %dma_wait3A_101 = arith.constant 0 : i32
    %dma_wait3A_102 = tpu.memref_slice %arg2[%dma_wait3A, %dma_wait3A_101] : memref<10000x128xf32, #tpu.memory_space<hbm>> -> memref<10000x128xf32, #tpu.memory_space<hbm>>
    tpu.wait_indirect_dma semaphore(%arg14 : memref<!tpu.dma_semaphore, #tpu.memory_space<semaphore_mem>>) src(%dma_wait3A_102 : memref<10000x128xf32, #tpu.memory_space<hbm>>) dst(%arg12 : memref<80x128xf32, #tpu.memory_space<vmem>>)
    "tpu.region"() ({
      %run_scoped3A = tpu.sem_alloc : memref<!tpu.dma_semaphore, #tpu.memory_space<semaphore_mem>>
      %dma_start3A_104 = arith.constant 0 : i32
      %dma_start3A_105 = arith.constant 0 : i32
      %dma_start3A_106 = tpu.memref_slice %arg6[%dma_start3A_104, %dma_start3A_105] : memref<10240x128xf32, #tpu.memory_space<vmem_shared>> -> memref<10240x128xf32, #tpu.memory_space<vmem_shared>>
      tpu.enqueue_indirect_dma source(%arg12 : memref<80x128xf32, #tpu.memory_space<vmem>>) target(%dma_start3A_106 : memref<10240x128xf32, #tpu.memory_space<vmem_shared>>) offsets(%arg9 : memref<80xi32, #tpu.memory_space<vmem>>) semaphore(%run_scoped3A : memref<!tpu.dma_semaphore, #tpu.memory_space<semaphore_mem>>) {add = true}
      %dma_wait3A_107 = arith.constant 0 : i32
      %dma_wait3A_108 = arith.constant 0 : i32
      %dma_wait3A_109 = tpu.memref_slice %arg6[%dma_wait3A_107, %dma_wait3A_108] : memref<10240x128xf32, #tpu.memory_space<vmem_shared>> -> memref<10240x128xf32, #tpu.memory_space<vmem_shared>>
      tpu.wait_indirect_dma semaphore(%run_scoped3A : memref<!tpu.dma_semaphore, #tpu.memory_space<semaphore_mem>>) src(%arg12 : memref<80x128xf32, #tpu.memory_space<vmem>>) dst(%dma_wait3A_109 : memref<10240x128xf32, #tpu.memory_space<vmem_shared>>)
      tpu.yield
    }) : () -> ()
    %barrier3A_103 = arith.constant 0 : index
    tpu.barrier barrier_id(%barrier3A_103)
    "tpu.region"() ({
      %run_scoped3A = tpu.sem_alloc : memref<!tpu.dma_semaphore, #tpu.memory_space<semaphore_mem>>
      %dma_start3A_104 = arith.constant 0 : i32
      %dma_start3A_105 = tpu.memref_slice %arg5[%arg0, %mul3A_2, %dma_start3A_104] : memref<2x10240x128xf32, #tpu.memory_space<hbm>> -> memref<1x640x128xf32, #tpu.memory_space<hbm>>
      %dma_start3A_106 = tpu.memref_squeeze %dma_start3A_105 : memref<1x640x128xf32, #tpu.memory_space<hbm>> -> memref<640x128xf32, #tpu.memory_space<hbm>>
      %dma_start3A_107 = arith.constant 0 : i32
      %dma_start3A_108 = tpu.memref_slice %arg6[%mul3A_2, %dma_start3A_107] : memref<10240x128xf32, #tpu.memory_space<vmem_shared>> -> memref<640x128xf32, #tpu.memory_space<vmem_shared>>
      tpu.enqueue_dma source(%dma_start3A_108 : memref<640x128xf32, #tpu.memory_space<vmem_shared>>) target(%dma_start3A_106 : memref<640x128xf32, #tpu.memory_space<hbm>>) target_semaphore(%run_scoped3A : memref<!tpu.dma_semaphore, #tpu.memory_space<semaphore_mem>>)
      %dma_wait3A_109 = arith.constant 0 : i32
      %dma_wait3A_110 = tpu.memref_slice %arg5[%arg0, %mul3A_2, %dma_wait3A_109] : memref<2x10240x128xf32, #tpu.memory_space<hbm>> -> memref<1x640x128xf32, #tpu.memory_space<hbm>>
      %dma_wait3A_111 = tpu.memref_squeeze %dma_wait3A_110 : memref<1x640x128xf32, #tpu.memory_space<hbm>> -> memref<640x128xf32, #tpu.memory_space<hbm>>
      %dma_wait3A_112 = arith.constant 0 : i32
      %dma_wait3A_113 = tpu.memref_slice %arg6[%mul3A_2, %dma_wait3A_112] : memref<10240x128xf32, #tpu.memory_space<vmem_shared>> -> memref<640x128xf32, #tpu.memory_space<vmem_shared>>
      tpu.wait_dma2 semaphore(%run_scoped3A : memref<!tpu.dma_semaphore, #tpu.memory_space<semaphore_mem>>) src(%dma_wait3A_113 : memref<640x128xf32, #tpu.memory_space<vmem_shared>>) dst(%dma_wait3A_111 : memref<640x128xf32, #tpu.memory_space<hbm>>)
      tpu.yield
    }) : () -> ()
    return
  }
}

module attributes {stable_mosaic.version = 14 : i64} {
  func.func @_cnt_body(%arg0: i32, %arg1: memref<1x1x2048xi32, #tpu.memory_space<vmem>>, %arg2: memref<80x128xf32, #tpu.memory_space<vmem>>, %arg3: memref<80x128xf32, #tpu.memory_space<vmem>>) attributes {dimension_semantics = [#tpu.dimension_semantics<arbitrary>], iteration_bounds = array<i64: 160>, scalar_prefetch = 0 : i64, scratch_operands = 1 : i64, tpu.core_type = #tpu.core_type<tc>, window_params = [{transform_indices = @transform_0, window_bounds = array<i64: 1, 1, 2048>}, {pipeline_mode = #tpu.pipeline_mode<synchronous>, transform_indices = @transform_1, window_bounds = array<i64: 80, 128>}]} {
    %eq3A = arith.constant 0 : i32
    %eq3A_0 = arith.cmpi eq, %arg0, %eq3A : i32
    %convert_element_type3A = arith.extui %eq3A_0 : i1 to i32
    %cond3A = arith.constant 0 : i32
    %cond3A_1 = arith.cmpi ne, %convert_element_type3A, %cond3A : i32
    scf.if %cond3A_1 {
      %broadcast_in_dim3A_35 = arith.constant 0.000000e+00 : f32
      %broadcast_in_dim3A_36 = vector.broadcast %broadcast_in_dim3A_35 : f32 to vector<80x128xf32>
      %swap3A_37 = arith.constant 0 : index
      %swap3A_38 = arith.constant 0 : index
      %swap3A_39 = vector.load %arg3[%swap3A_37, %swap3A_38] : memref<80x128xf32, #tpu.memory_space<vmem>>, vector<80x128xf32>
      tpu.vector_store %arg3[%swap3A_37, %swap3A_38], %broadcast_in_dim3A_36 {strides = array<i32>} : memref<80x128xf32, #tpu.memory_space<vmem>>, vector<80x128xf32>,
    } else {
    }
    %get3A = arith.constant 0 : index
    %get3A_2 = arith.constant 0 : index
    %get3A_3 = arith.constant 0 : index
    %get3A_4 = vector.load %arg1[%get3A, %get3A_2, %get3A_3] : memref<1x1x2048xi32, #tpu.memory_space<vmem>>, vector<1x1x2048xi32>
    %get3A_5 = vector.shape_cast %get3A_4 : vector<1x1x2048xi32> to vector<1x2048xi32>
    %shift_right_logical3A = arith.constant 7 : i32
    %shift_right_logical3A_6 = vector.broadcast %shift_right_logical3A : i32 to vector<1x2048xi32>
    %shift_right_logical3A_7 = arith.shrui %get3A_5, %shift_right_logical3A_6 : vector<1x2048xi32>
    %and3A = arith.constant 127 : i32
    %and3A_8 = vector.broadcast %and3A : i32 to vector<1x2048xi32>
    %and3A_9 = arith.andi %get3A_5, %and3A_8 : vector<1x2048xi32>
    %iota3A = tpu.iota {dimensions = array<i32: 0>} : vector<80x2048xi32>
    %iota3A_10 = tpu.iota {dimensions = array<i32: 0>} : vector<128x2048xi32>
    %eq3A_11 = vector.broadcast %shift_right_logical3A_7 : vector<1x2048xi32> to vector<80x2048xi32>
    %eq3A_12 = arith.cmpi eq, %iota3A, %eq3A_11 : vector<80x2048xi32>
    %jit3A = arith.constant 1.000000e+00 : f32
    %jit3A_13 = arith.constant 0.000000e+00 : f32
    %broadcast_in_dim3A = vector.broadcast %jit3A : f32 to vector<80x2048xf32>
    %broadcast_in_dim3A_14 = vector.broadcast %jit3A_13 : f32 to vector<80x2048xf32>
    %select_n3A = arith.select %eq3A_12, %broadcast_in_dim3A, %broadcast_in_dim3A_14 : vector<80x2048xi1>, vector<80x2048xf32>
    %convert_element_type3A_15 = arith.truncf %select_n3A : vector<80x2048xf32> to vector<80x2048xbf16>
    %eq3A_16 = vector.broadcast %and3A_9 : vector<1x2048xi32> to vector<128x2048xi32>
    %eq3A_17 = arith.cmpi eq, %iota3A_10, %eq3A_16 : vector<128x2048xi32>
    %jit3A_18 = arith.constant 1.000000e+00 : f32
    %jit3A_19 = arith.constant 0.000000e+00 : f32
    %broadcast_in_dim3A_20 = vector.broadcast %jit3A_18 : f32 to vector<128x2048xf32>
    %broadcast_in_dim3A_21 = vector.broadcast %jit3A_19 : f32 to vector<128x2048xf32>
    %select_n3A_22 = arith.select %eq3A_17, %broadcast_in_dim3A_20, %broadcast_in_dim3A_21 : vector<128x2048xi1>, vector<128x2048xf32>
    %convert_element_type3A_23 = arith.truncf %select_n3A_22 : vector<128x2048xf32> to vector<128x2048xbf16>
    %get3A_24 = arith.constant 0 : index
    %get3A_25 = arith.constant 0 : index
    %get3A_26 = vector.load %arg3[%get3A_24, %get3A_25] : memref<80x128xf32, #tpu.memory_space<vmem>>, vector<80x128xf32>
    %dot_general3A = arith.constant dense<0.000000e+00> : vector<80x128xf32>
    %dot_general3A_27 = tpu.matmul %convert_element_type3A_15, %convert_element_type3A_23, %dot_general3A {dimension_numbers = #tpu.dot_dimension_numbers<[1], [1], [0], [0], [0, 0, 1, 0], [], []>, transpose_lhs_hint = false} : vector<80x2048xbf16>, vector<128x2048xbf16>, vector<80x128xf32> -> vector<80x128xf32>
    %add3A = arith.addf %get3A_26, %dot_general3A_27 : vector<80x128xf32>
    %swap3A = arith.constant 0 : index
    %swap3A_28 = arith.constant 0 : index
    %swap3A_29 = vector.load %arg3[%swap3A, %swap3A_28] : memref<80x128xf32, #tpu.memory_space<vmem>>, vector<80x128xf32>
    tpu.vector_store %arg3[%swap3A, %swap3A_28], %add3A {strides = array<i32>} : memref<80x128xf32, #tpu.memory_space<vmem>>, vector<80x128xf32>,
    %eq3A_30 = arith.constant 159 : i32
    %eq3A_31 = arith.cmpi eq, %arg0, %eq3A_30 : i32
    %convert_element_type3A_32 = arith.extui %eq3A_31 : i1 to i32
    %cond3A_33 = arith.constant 0 : i32
    %cond3A_34 = arith.cmpi ne, %convert_element_type3A_32, %cond3A_33 : i32
    scf.if %cond3A_34 {
      %get3A_35 = arith.constant 0 : index
      %get3A_36 = arith.constant 0 : index
      %get3A_37 = vector.load %arg3[%get3A_35, %get3A_36] : memref<80x128xf32, #tpu.memory_space<vmem>>, vector<80x128xf32>
      %swap3A_38 = arith.constant 0 : index
      %swap3A_39 = arith.constant 0 : index
      %swap3A_40 = vector.load %arg2[%swap3A_38, %swap3A_39] : memref<80x128xf32, #tpu.memory_space<vmem>>, vector<80x128xf32>
      tpu.vector_store %arg2[%swap3A_38, %swap3A_39], %get3A_37 {strides = array<i32>} : memref<80x128xf32, #tpu.memory_space<vmem>>, vector<80x128xf32>,
    } else {
    }
    return
  }
  func.func @transform_0(%arg0: i32) -> (i32, i32, i32) {
    %c0_i32 = arith.constant 0 : i32
    %c0_i32_0 = arith.constant 0 : i32
    %c0_i32_1 = arith.constant 0 : i32
    return %arg0, %c0_i32, %c0_i32_0 : i32, i32, i32
  }
  func.func @transform_1(%arg0: i32) -> (i32, i32) {
    %c0_i32 = arith.constant 0 : i32
    %c0_i32_0 = arith.constant 0 : i32
    %c0_i32_1 = arith.constant 0 : i32
    return %c0_i32, %c0_i32_0 : i32, i32
  }
}

module attributes {stable_mosaic.version = 14 : i64} {
  func.func @_layer_body(%arg0: i32, %arg1: memref<2x1024x128xf32, #tpu.memory_space<vmem>>, %arg2: memref<1024x1xf32, #tpu.memory_space<vmem>>, %arg3: memref<128x128xf32, #tpu.memory_space<vmem>>, %arg4: memref<1x128xf32, #tpu.memory_space<vmem>>, %arg5: memref<1024x128xf32, #tpu.memory_space<vmem>>) attributes {dimension_semantics = [#tpu.dimension_semantics<arbitrary>], iteration_bounds = array<i64: 10>, scalar_prefetch = 0 : i64, scratch_operands = 0 : i64, tpu.core_type = #tpu.core_type<tc>, window_params = [{transform_indices = @transform_0, window_bounds = array<i64: 2, 1024, 128>}, {transform_indices = @transform_1, window_bounds = array<i64: 1024, 1>}, {pipeline_mode = #tpu.pipeline_mode<synchronous>, transform_indices = @transform_2, window_bounds = array<i64: 128, 128>}, {pipeline_mode = #tpu.pipeline_mode<synchronous>, transform_indices = @transform_3, window_bounds = array<i64: 1, 128>}, {transform_indices = @transform_4, window_bounds = array<i64: 1024, 128>}]} {
    %get3A = arith.constant 0 : index
    %get3A_0 = arith.constant 0 : index
    %get3A_1 = arith.constant 0 : index
    %get3A_2 = vector.load %arg1[%get3A, %get3A_0, %get3A_1] : memref<2x1024x128xf32, #tpu.memory_space<vmem>>, vector<1x1024x128xf32>
    %get3A_3 = vector.shape_cast %get3A_2 : vector<1x1024x128xf32> to vector<1024x128xf32>
    %get3A_4 = arith.constant 1 : index
    %get3A_5 = arith.constant 0 : index
    %get3A_6 = arith.constant 0 : index
    %get3A_7 = vector.load %arg1[%get3A_4, %get3A_5, %get3A_6] : memref<2x1024x128xf32, #tpu.memory_space<vmem>>, vector<1x1024x128xf32>
    %get3A_8 = vector.shape_cast %get3A_7 : vector<1x1024x128xf32> to vector<1024x128xf32>
    %add3A = arith.addf %get3A_3, %get3A_8 : vector<1024x128xf32>
    %get3A_9 = arith.constant 0 : index
    %get3A_10 = arith.constant 0 : index
    %get3A_11 = vector.load %arg2[%get3A_9, %get3A_10] : memref<1024x1xf32, #tpu.memory_space<vmem>>, vector<1024x1xf32>
    %max3A = arith.constant 1.000000e+00 : f32
    %max3A_12 = vector.broadcast %max3A : f32 to vector<1024x1xf32>
    %max3A_13 = arith.maximumf %get3A_11, %max3A_12 : vector<1024x1xf32>
    %div3A = vector.broadcast %max3A_13 : vector<1024x1xf32> to vector<1024x128xf32>
    %div3A_14 = arith.divf %add3A, %div3A : vector<1024x128xf32>
    %get3A_15 = arith.constant 0 : index
    %get3A_16 = arith.constant 0 : index
    %get3A_17 = vector.load %arg3[%get3A_15, %get3A_16] : memref<128x128xf32, #tpu.memory_space<vmem>>, vector<128x128xf32>
    %dot_general3A = arith.constant dense<0.000000e+00> : vector<1024x128xf32>
    %dot_general3A_18 = tpu.matmul %div3A_14, %get3A_17, %dot_general3A {dimension_numbers = #tpu.dot_dimension_numbers<[1], [0], [0], [1], [0, 0, 1, 1], [], []>, transpose_lhs_hint = false} : vector<1024x128xf32>, vector<128x128xf32>, vector<1024x128xf32> -> vector<1024x128xf32>
    %get3A_19 = arith.constant 0 : index
    %get3A_20 = arith.constant 0 : index
    %get3A_21 = vector.load %arg4[%get3A_19, %get3A_20] : memref<1x128xf32, #tpu.memory_space<vmem>>, vector<1x128xf32>
    %add3A_22 = vector.broadcast %get3A_21 : vector<1x128xf32> to vector<1024x128xf32>
    %add3A_23 = arith.addf %dot_general3A_18, %add3A_22 : vector<1024x128xf32>
    %gt3A = arith.constant 0.000000e+00 : f32
    %gt3A_24 = vector.broadcast %gt3A : f32 to vector<1024x1xf32>
    %gt3A_25 = arith.cmpf ogt, %get3A_11, %gt3A_24 : vector<1024x1xf32>
    %jit3A = arith.constant 0.000000e+00 : f32
    %broadcast_in_dim3A = vector.shape_cast %gt3A_25 : vector<1024x1xi1> to vector<1024x1xi1>
    %broadcast_in_dim3A_26 = vector.broadcast %broadcast_in_dim3A : vector<1024x1xi1> to vector<1024x128xi1>
    %broadcast_in_dim3A_27 = vector.broadcast %jit3A : f32 to vector<1024x128xf32>
    %select_n3A = arith.select %broadcast_in_dim3A_26, %add3A_23, %broadcast_in_dim3A_27 : vector<1024x128xi1>, vector<1024x128xf32>
    %max3A_28 = arith.constant 0.000000e+00 : f32
    %max3A_29 = vector.broadcast %max3A_28 : f32 to vector<1024x128xf32>
    %max3A_30 = arith.maximumf %select_n3A, %max3A_29 : vector<1024x128xf32>
    %swap3A = arith.constant 0 : index
    %swap3A_31 = arith.constant 0 : index
    %swap3A_32 = vector.load %arg5[%swap3A, %swap3A_31] : memref<1024x128xf32, #tpu.memory_space<vmem>>, vector<1024x128xf32>
    tpu.vector_store %arg5[%swap3A, %swap3A_31], %max3A_30 {strides = array<i32>} : memref<1024x128xf32, #tpu.memory_space<vmem>>, vector<1024x128xf32>,
    return
  }
  func.func @transform_0(%arg0: i32) -> (i32, i32, i32) {
    %c0_i32 = arith.constant 0 : i32
    %c0_i32_0 = arith.constant 0 : i32
    %c0_i32_1 = arith.constant 0 : i32
    return %c0_i32, %arg0, %c0_i32_0 : i32, i32, i32
  }
  func.func @transform_1(%arg0: i32) -> (i32, i32) {
    %c0_i32 = arith.constant 0 : i32
    %c0_i32_0 = arith.constant 0 : i32
    return %arg0, %c0_i32 : i32, i32
  }
  func.func @transform_2(%arg0: i32) -> (i32, i32) {
    %c0_i32 = arith.constant 0 : i32
    %c0_i32_0 = arith.constant 0 : i32
    %c0_i32_1 = arith.constant 0 : i32
    return %c0_i32, %c0_i32_0 : i32, i32
  }
  func.func @transform_3(%arg0: i32) -> (i32, i32) {
    %c0_i32 = arith.constant 0 : i32
    %c0_i32_0 = arith.constant 0 : i32
    %c0_i32_1 = arith.constant 0 : i32
    return %c0_i32, %c0_i32_0 : i32, i32
  }
  func.func @transform_4(%arg0: i32) -> (i32, i32) {
    %c0_i32 = arith.constant 0 : i32
    %c0_i32_0 = arith.constant 0 : i32
    return %arg0, %c0_i32 : i32, i32
  }
}

module attributes {stable_mosaic.version = 14 : i64} {
  func.func @_final_body(%arg0: i32, %arg1: memref<2x1024x128xf32, #tpu.memory_space<vmem>>, %arg2: memref<1024x1xf32, #tpu.memory_space<vmem>>, %arg3: memref<1024x1xi32, #tpu.memory_space<vmem>>, %arg4: memref<128x128xf32, #tpu.memory_space<vmem>>, %arg5: memref<1x128xf32, #tpu.memory_space<vmem>>, %arg6: memref<128x128xf32, #tpu.memory_space<vmem>>, %arg7: memref<1x128xf32, #tpu.memory_space<vmem>>, %arg8: memref<128x128xf32, #tpu.memory_space<vmem>>, %arg9: memref<1x128xf32, #tpu.memory_space<vmem>>, %arg10: memref<64x128xf32, #tpu.memory_space<vmem>>, %arg11: memref<72x128xf32, #tpu.memory_space<vmem>>) attributes {dimension_semantics = [#tpu.dimension_semantics<arbitrary>], iteration_bounds = array<i64: 10>, scalar_prefetch = 0 : i64, scratch_operands = 1 : i64, tpu.core_type = #tpu.core_type<tc>, window_params = [{transform_indices = @transform_0, window_bounds = array<i64: 2, 1024, 128>}, {transform_indices = @transform_1, window_bounds = array<i64: 1024, 1>}, {transform_indices = @transform_2, window_bounds = array<i64: 1024, 1>}, {pipeline_mode = #tpu.pipeline_mode<synchronous>, transform_indices = @transform_3, window_bounds = array<i64: 128, 128>}, {pipeline_mode = #tpu.pipeline_mode<synchronous>, transform_indices = @transform_4, window_bounds = array<i64: 1, 128>}, {pipeline_mode = #tpu.pipeline_mode<synchronous>, transform_indices = @transform_5, window_bounds = array<i64: 128, 128>}, {pipeline_mode = #tpu.pipeline_mode<synchronous>, transform_indices = @transform_6, window_bounds = array<i64: 1, 128>}, {pipeline_mode = #tpu.pipeline_mode<synchronous>, transform_indices = @transform_7, window_bounds = array<i64: 128, 128>}, {pipeline_mode = #tpu.pipeline_mode<synchronous>, transform_indices = @transform_8, window_bounds = array<i64: 1, 128>}, {pipeline_mode = #tpu.pipeline_mode<synchronous>, transform_indices = @transform_9, window_bounds = array<i64: 64, 128>}]} {
    %eq3A = arith.constant 0 : i32
    %eq3A_0 = arith.cmpi eq, %arg0, %eq3A : i32
    %convert_element_type3A = arith.extui %eq3A_0 : i1 to i32
    %cond3A = arith.constant 0 : i32
    %cond3A_1 = arith.cmpi ne, %convert_element_type3A, %cond3A : i32
    scf.if %cond3A_1 {
      %broadcast_in_dim3A_59 = arith.constant -3.400000e+38 : f32
      %broadcast_in_dim3A_60 = vector.broadcast %broadcast_in_dim3A_59 : f32 to vector<72x128xf32>
      %swap3A = arith.constant 0 : index
      %swap3A_61 = arith.constant 0 : index
      %swap3A_62 = vector.load %arg11[%swap3A, %swap3A_61] : memref<72x128xf32, #tpu.memory_space<vmem>>, vector<72x128xf32>
      tpu.vector_store %arg11[%swap3A, %swap3A_61], %broadcast_in_dim3A_60 {strides = array<i32>} : memref<72x128xf32, #tpu.memory_space<vmem>>, vector<72x128xf32>,
    } else {
    }
    %get3A = arith.constant 0 : index
    %get3A_2 = arith.constant 0 : index
    %get3A_3 = arith.constant 0 : index
    %get3A_4 = vector.load %arg1[%get3A, %get3A_2, %get3A_3] : memref<2x1024x128xf32, #tpu.memory_space<vmem>>, vector<1x1024x128xf32>
    %get3A_5 = vector.shape_cast %get3A_4 : vector<1x1024x128xf32> to vector<1024x128xf32>
    %get3A_6 = arith.constant 1 : index
    %get3A_7 = arith.constant 0 : index
    %get3A_8 = arith.constant 0 : index
    %get3A_9 = vector.load %arg1[%get3A_6, %get3A_7, %get3A_8] : memref<2x1024x128xf32, #tpu.memory_space<vmem>>, vector<1x1024x128xf32>
    %get3A_10 = vector.shape_cast %get3A_9 : vector<1x1024x128xf32> to vector<1024x128xf32>
    %add3A = arith.addf %get3A_5, %get3A_10 : vector<1024x128xf32>
    %get3A_11 = arith.constant 0 : index
    %get3A_12 = arith.constant 0 : index
    %get3A_13 = vector.load %arg2[%get3A_11, %get3A_12] : memref<1024x1xf32, #tpu.memory_space<vmem>>, vector<1024x1xf32>
    %max3A = arith.constant 1.000000e+00 : f32
    %max3A_14 = vector.broadcast %max3A : f32 to vector<1024x1xf32>
    %max3A_15 = arith.maximumf %get3A_13, %max3A_14 : vector<1024x1xf32>
    %div3A = vector.broadcast %max3A_15 : vector<1024x1xf32> to vector<1024x128xf32>
    %div3A_16 = arith.divf %add3A, %div3A : vector<1024x128xf32>
    %get3A_17 = arith.constant 0 : index
    %get3A_18 = arith.constant 0 : index
    %get3A_19 = vector.load %arg4[%get3A_17, %get3A_18] : memref<128x128xf32, #tpu.memory_space<vmem>>, vector<128x128xf32>
    %dot_general3A = arith.constant dense<0.000000e+00> : vector<1024x128xf32>
    %dot_general3A_20 = tpu.matmul %div3A_16, %get3A_19, %dot_general3A {dimension_numbers = #tpu.dot_dimension_numbers<[1], [0], [0], [1], [0, 0, 1, 1], [], []>, transpose_lhs_hint = false} : vector<1024x128xf32>, vector<128x128xf32>, vector<1024x128xf32> -> vector<1024x128xf32>
    %get3A_21 = arith.constant 0 : index
    %get3A_22 = arith.constant 0 : index
    %get3A_23 = vector.load %arg5[%get3A_21, %get3A_22] : memref<1x128xf32, #tpu.memory_space<vmem>>, vector<1x128xf32>
    %add3A_24 = vector.broadcast %get3A_23 : vector<1x128xf32> to vector<1024x128xf32>
    %add3A_25 = arith.addf %dot_general3A_20, %add3A_24 : vector<1024x128xf32>
    %gt3A = arith.constant 0.000000e+00 : f32
    %gt3A_26 = vector.broadcast %gt3A : f32 to vector<1024x1xf32>
    %gt3A_27 = arith.cmpf ogt, %get3A_13, %gt3A_26 : vector<1024x1xf32>
    %jit3A = arith.constant 0.000000e+00 : f32
    %broadcast_in_dim3A = vector.shape_cast %gt3A_27 : vector<1024x1xi1> to vector<1024x1xi1>
    %broadcast_in_dim3A_28 = vector.broadcast %broadcast_in_dim3A : vector<1024x1xi1> to vector<1024x128xi1>
    %broadcast_in_dim3A_29 = vector.broadcast %jit3A : f32 to vector<1024x128xf32>
    %select_n3A = arith.select %broadcast_in_dim3A_28, %add3A_25, %broadcast_in_dim3A_29 : vector<1024x128xi1>, vector<1024x128xf32>
    %max3A_30 = arith.constant 0.000000e+00 : f32
    %max3A_31 = vector.broadcast %max3A_30 : f32 to vector<1024x128xf32>
    %max3A_32 = arith.maximumf %select_n3A, %max3A_31 : vector<1024x128xf32>
    %get3A_33 = arith.constant 0 : index
    %get3A_34 = arith.constant 0 : index
    %get3A_35 = vector.load %arg3[%get3A_33, %get3A_34] : memref<1024x1xi32, #tpu.memory_space<vmem>>, vector<1024x1xi32>
    %reduce_min3A = vector.shape_cast %get3A_35 : vector<1024x1xi32> to vector<1x1024x1xi32>
    %reduce_min3A_36 = arith.constant dense<2147483647> : vector<1xi32>
    %reduce_min3A_37 = vector.multi_reduction <minsi>, %reduce_min3A, %reduce_min3A_36 [1, 2] : vector<1x1024x1xi32> to vector<1xi32>
    %reduce_min3A_38 = vector.shape_cast %reduce_min3A_37 : vector<1xi32> to vector<1x1x1xi32>
    %reduce_min3A_39 = vector.extract %reduce_min3A_38[0, 0, 0] : i32 from vector<1x1x1xi32>
    %reduce_max3A = vector.shape_cast %get3A_35 : vector<1024x1xi32> to vector<1x1024x1xi32>
    %reduce_max3A_40 = arith.constant dense<-2147483648> : vector<1xi32>
    %reduce_max3A_41 = vector.multi_reduction <maxsi>, %reduce_max3A, %reduce_max3A_40 [1, 2] : vector<1x1024x1xi32> to vector<1xi32>
    %reduce_max3A_42 = vector.shape_cast %reduce_max3A_41 : vector<1xi32> to vector<1x1x1xi32>
    %reduce_max3A_43 = vector.extract %reduce_max3A_42[0, 0, 0] : i32 from vector<1x1x1xi32>
    %add3A_44 = arith.constant 1 : i32
    %add3A_45 = arith.addi %reduce_max3A_43, %add3A_44 : i32
    %while3A = arith.constant 0 : i32
    %while3A_46 = arith.subi %add3A_45, %reduce_min3A_39 : i32
    %while3A_47 = arith.addi %reduce_min3A_39, %while3A_46 : i32
    %while3A_48 = arith.constant 1 : i32
    %while3A_49 = arith.divsi %while3A_46, %while3A_48 : i32
    %while3A_50 = arith.muli %while3A_49, %while3A_48 : i32
    %while3A_51 = arith.addi %reduce_min3A_39, %while3A_50 : i32
    %while3A_52 = arith.constant 1 : i32
    scf.for %while3A_59 = %reduce_min3A_39 to %while3A_51 step %while3A_52  : i32 {
      %eq3A_60 = vector.broadcast %while3A_59 : i32 to vector<1024x1xi32>
      %eq3A_61 = arith.cmpi eq, %get3A_35, %eq3A_60 : vector<1024x1xi32>
      %jit3A_62 = arith.constant -3.400000e+38 : f32
      %broadcast_in_dim3A_63 = vector.shape_cast %eq3A_61 : vector<1024x1xi1> to vector<1024x1xi1>
      %broadcast_in_dim3A_64 = vector.broadcast %broadcast_in_dim3A_63 : vector<1024x1xi1> to vector<1024x128xi1>
      %broadcast_in_dim3A_65 = vector.broadcast %jit3A_62 : f32 to vector<1024x128xf32>
      %select_n3A_66 = arith.select %broadcast_in_dim3A_64, %max3A_32, %broadcast_in_dim3A_65 : vector<1024x128xi1>, vector<1024x128xf32>
      %reduce_max3A_67 = arith.constant dense<0xFF800000> : vector<128xf32>
      %reduce_max3A_68 = vector.multi_reduction <maximumf>, %select_n3A_66, %reduce_max3A_67 [0] : vector<1024x128xf32> to vector<128xf32>
      %broadcast_in_dim3A_69 = vector.shape_cast %reduce_max3A_68 : vector<128xf32> to vector<1x128xf32>
      %get3A_70 = arith.index_cast %while3A_59 : i32 to index
      %get3A_71 = arith.constant 0 : index
      %get3A_72 = vector.load %arg11[%get3A_70, %get3A_71] : memref<72x128xf32, #tpu.memory_space<vmem>>, vector<1x128xf32>
      %max3A_73 = arith.maximumf %get3A_72, %broadcast_in_dim3A_69 : vector<1x128xf32>
      %swap3A = arith.index_cast %while3A_59 : i32 to index
      %swap3A_74 = arith.constant 0 : index
      %swap3A_75 = vector.load %arg11[%swap3A, %swap3A_74] : memref<72x128xf32, #tpu.memory_space<vmem>>, vector<1x128xf32>
      tpu.vector_store %arg11[%swap3A, %swap3A_74], %max3A_73 {strides = array<i32>} : memref<72x128xf32, #tpu.memory_space<vmem>>, vector<1x128xf32>,
    }
    %while3A_53 = arith.constant 1 : i32
    scf.for %while3A_59 = %while3A_51 to %while3A_47 step %while3A_53  : i32 {
      %eq3A_60 = vector.broadcast %while3A_59 : i32 to vector<1024x1xi32>
      %eq3A_61 = arith.cmpi eq, %get3A_35, %eq3A_60 : vector<1024x1xi32>
      %jit3A_62 = arith.constant -3.400000e+38 : f32
      %broadcast_in_dim3A_63 = vector.shape_cast %eq3A_61 : vector<1024x1xi1> to vector<1024x1xi1>
      %broadcast_in_dim3A_64 = vector.broadcast %broadcast_in_dim3A_63 : vector<1024x1xi1> to vector<1024x128xi1>
      %broadcast_in_dim3A_65 = vector.broadcast %jit3A_62 : f32 to vector<1024x128xf32>
      %select_n3A_66 = arith.select %broadcast_in_dim3A_64, %max3A_32, %broadcast_in_dim3A_65 : vector<1024x128xi1>, vector<1024x128xf32>
      %reduce_max3A_67 = arith.constant dense<0xFF800000> : vector<128xf32>
      %reduce_max3A_68 = vector.multi_reduction <maximumf>, %select_n3A_66, %reduce_max3A_67 [0] : vector<1024x128xf32> to vector<128xf32>
      %broadcast_in_dim3A_69 = vector.shape_cast %reduce_max3A_68 : vector<128xf32> to vector<1x128xf32>
      %get3A_70 = arith.index_cast %while3A_59 : i32 to index
      %get3A_71 = arith.constant 0 : index
      %get3A_72 = vector.load %arg11[%get3A_70, %get3A_71] : memref<72x128xf32, #tpu.memory_space<vmem>>, vector<1x128xf32>
      %max3A_73 = arith.maximumf %get3A_72, %broadcast_in_dim3A_69 : vector<1x128xf32>
      %swap3A = arith.index_cast %while3A_59 : i32 to index
      %swap3A_74 = arith.constant 0 : index
      %swap3A_75 = vector.load %arg11[%swap3A, %swap3A_74] : memref<72x128xf32, #tpu.memory_space<vmem>>, vector<1x128xf32>
      tpu.vector_store %arg11[%swap3A, %swap3A_74], %max3A_73 {strides = array<i32>} : memref<72x128xf32, #tpu.memory_space<vmem>>, vector<1x128xf32>,
    }
    %eq3A_54 = arith.constant 9 : i32
    %eq3A_55 = arith.cmpi eq, %arg0, %eq3A_54 : i32
    %convert_element_type3A_56 = arith.extui %eq3A_55 : i1 to i32
    %cond3A_57 = arith.constant 0 : i32
    %cond3A_58 = arith.cmpi ne, %convert_element_type3A_56, %cond3A_57 : i32
    scf.if %cond3A_58 {
      %get3A_59 = arith.constant 0 : index
      %get3A_60 = arith.constant 0 : index
      %get3A_61 = vector.load %arg11[%get3A_59, %get3A_60] : memref<72x128xf32, #tpu.memory_space<vmem>>, vector<64x128xf32>
      %get3A_62 = arith.constant 0 : index
      %get3A_63 = arith.constant 0 : index
      %get3A_64 = vector.load %arg6[%get3A_62, %get3A_63] : memref<128x128xf32, #tpu.memory_space<vmem>>, vector<128x128xf32>
      %dot_general3A_65 = arith.constant dense<0.000000e+00> : vector<64x128xf32>
      %dot_general3A_66 = tpu.matmul %get3A_61, %get3A_64, %dot_general3A_65 {dimension_numbers = #tpu.dot_dimension_numbers<[1], [0], [0], [1], [0, 0, 1, 1], [], []>, transpose_lhs_hint = false} : vector<64x128xf32>, vector<128x128xf32>, vector<64x128xf32> -> vector<64x128xf32>
      %get3A_67 = arith.constant 0 : index
      %get3A_68 = arith.constant 0 : index
      %get3A_69 = vector.load %arg7[%get3A_67, %get3A_68] : memref<1x128xf32, #tpu.memory_space<vmem>>, vector<1x128xf32>
      %add3A_70 = vector.broadcast %get3A_69 : vector<1x128xf32> to vector<64x128xf32>
      %add3A_71 = arith.addf %dot_general3A_66, %add3A_70 : vector<64x128xf32>
      %max3A_72 = arith.constant 0.000000e+00 : f32
      %max3A_73 = vector.broadcast %max3A_72 : f32 to vector<64x128xf32>
      %max3A_74 = arith.maximumf %add3A_71, %max3A_73 : vector<64x128xf32>
      %get3A_75 = arith.constant 0 : index
      %get3A_76 = arith.constant 0 : index
      %get3A_77 = vector.load %arg8[%get3A_75, %get3A_76] : memref<128x128xf32, #tpu.memory_space<vmem>>, vector<128x128xf32>
      %dot_general3A_78 = arith.constant dense<0.000000e+00> : vector<64x128xf32>
      %dot_general3A_79 = tpu.matmul %max3A_74, %get3A_77, %dot_general3A_78 {dimension_numbers = #tpu.dot_dimension_numbers<[1], [0], [0], [1], [0, 0, 1, 1], [], []>, transpose_lhs_hint = false} : vector<64x128xf32>, vector<128x128xf32>, vector<64x128xf32> -> vector<64x128xf32>
      %get3A_80 = arith.constant 0 : index
      %get3A_81 = arith.constant 0 : index
      %get3A_82 = vector.load %arg9[%get3A_80, %get3A_81] : memref<1x128xf32, #tpu.memory_space<vmem>>, vector<1x128xf32>
      %add3A_83 = vector.broadcast %get3A_82 : vector<1x128xf32> to vector<64x128xf32>
      %add3A_84 = arith.addf %dot_general3A_79, %add3A_83 : vector<64x128xf32>
      %slice3A = vector.extract_strided_slice %add3A_84 {offsets = [0, 0], sizes = [64, 1], strides = [1, 1]} : vector<64x128xf32> to vector<64x1xf32>
      %slice3A_85 = vector.extract_strided_slice %add3A_84 {offsets = [0, 1], sizes = [64, 1], strides = [1, 1]} : vector<64x128xf32> to vector<64x1xf32>
      %max3A_86 = arith.maximumf %slice3A, %slice3A_85 : vector<64x1xf32>
      %sub3A = arith.subf %slice3A, %max3A_86 : vector<64x1xf32>
      %exp3A = math.exp %sub3A : vector<64x1xf32>
      %sub3A_87 = arith.subf %slice3A_85, %max3A_86 : vector<64x1xf32>
      %exp3A_88 = math.exp %sub3A_87 : vector<64x1xf32>
      %add3A_89 = arith.addf %exp3A, %exp3A_88 : vector<64x1xf32>
      %log3A = math.log %add3A_89 : vector<64x1xf32>
      %add3A_90 = arith.addf %max3A_86, %log3A : vector<64x1xf32>
      %sub3A_91 = vector.broadcast %add3A_90 : vector<64x1xf32> to vector<64x128xf32>
      %sub3A_92 = arith.subf %add3A_84, %sub3A_91 : vector<64x128xf32>
      %swap3A = arith.constant 0 : index
      %swap3A_93 = arith.constant 0 : index
      %swap3A_94 = vector.load %arg10[%swap3A, %swap3A_93] : memref<64x128xf32, #tpu.memory_space<vmem>>, vector<64x128xf32>
      tpu.vector_store %arg10[%swap3A, %swap3A_93], %sub3A_92 {strides = array<i32>} : memref<64x128xf32, #tpu.memory_space<vmem>>, vector<64x128xf32>,
    } else {
    }
    return
  }
  func.func @transform_0(%arg0: i32) -> (i32, i32, i32) {
    %c0_i32 = arith.constant 0 : i32
    %c0_i32_0 = arith.constant 0 : i32
    %c0_i32_1 = arith.constant 0 : i32
    return %c0_i32, %arg0, %c0_i32_0 : i32, i32, i32
  }
  func.func @transform_1(%arg0: i32) -> (i32, i32) {
    %c0_i32 = arith.constant 0 : i32
    %c0_i32_0 = arith.constant 0 : i32
    return %arg0, %c0_i32 : i32, i32
  }
  func.func @transform_2(%arg0: i32) -> (i32, i32) {
    %c0_i32 = arith.constant 0 : i32
    %c0_i32_0 = arith.constant 0 : i32
    return %arg0, %c0_i32 : i32, i32
  }
  func.func @transform_3(%arg0: i32) -> (i32, i32) {
    %c0_i32 = arith.constant 0 : i32
    %c0_i32_0 = arith.constant 0 : i32
    %c0_i32_1 = arith.constant 0 : i32
    return %c0_i32, %c0_i32_0 : i32, i32
  }
  func.func @transform_4(%arg0: i32) -> (i32, i32) {
    %c0_i32 = arith.constant 0 : i32
    %c0_i32_0 = arith.constant 0 : i32
    %c0_i32_1 = arith.constant 0 : i32
    return %c0_i32, %c0_i32_0 : i32, i32
  }
  func.func @transform_5(%arg0: i32) -> (i32, i32) {
    %c0_i32 = arith.constant 0 : i32
    %c0_i32_0 = arith.constant 0 : i32
    %c0_i32_1 = arith.constant 0 : i32
    return %c0_i32, %c0_i32_0 : i32, i32
  }
  func.func @transform_6(%arg0: i32) -> (i32, i32) {
    %c0_i32 = arith.constant 0 : i32
    %c0_i32_0 = arith.constant 0 : i32
    %c0_i32_1 = arith.constant 0 : i32
    return %c0_i32, %c0_i32_0 : i32, i32
  }
  func.func @transform_7(%arg0: i32) -> (i32, i32) {
    %c0_i32 = arith.constant 0 : i32
    %c0_i32_0 = arith.constant 0 : i32
    %c0_i32_1 = arith.constant 0 : i32
    return %c0_i32, %c0_i32_0 : i32, i32
  }
  func.func @transform_8(%arg0: i32) -> (i32, i32) {
    %c0_i32 = arith.constant 0 : i32
    %c0_i32_0 = arith.constant 0 : i32
    %c0_i32_1 = arith.constant 0 : i32
    return %c0_i32, %c0_i32_0 : i32, i32
  }
  func.func @transform_9(%arg0: i32) -> (i32, i32) {
    %c0_i32 = arith.constant 0 : i32
    %c0_i32_0 = arith.constant 0 : i32
    %c0_i32_1 = arith.constant 0 : i32
    return %c0_i32, %c0_i32_0 : i32, i32
  }
}

</mosaic_0001>

<sc_bundles>
// kernel: kernel.10.cloned.1.call-start
scs
__scs_entry_jumppad:
0x0: {  	(pc) =	sbr.rel $0x88, $3  }
0x1: {  	(tag) =	ssettag $0x0;
	lr =	simm.s32 $0x1  }
0x2: {  	[smem:$0x3F96] =	sst lr;
	_ =	strace $0xD0000000  }
0x3: {  	_ = 	snop  }
0x4: {  	_ = 	snop  }
0x5: {  	_ = 	snop  }
0x6: {  	_ = 	snop  }
0x7: {  	_ = 	snop  }
__scs_overlays_trampoline_lowered:
0x8: {  	[smem:$0x3FA5] =	sst s0  }
0x9: {  	[smem:$0x3FA6] =	sst s1  }
0xa: {  	[smem:$0x3FA7] =	sst s2  }
0xb: {  	[smem:$0x3FA8] =	sst s3  }
0xc: {  	[smem:$0x3FA9] =	sst s4  }
0xd: {  	[smem:$0x3FAA] =	sst s5  }
0xe: {  	[smem:$0x3FAB] =	sst s6  }
0xf: {  	[smem:$0x3FAC] =	sst s7  }
0x10: {  	[smem:$0x3FAD] =	sst s8  }
0x11: {  	[smem:$0x3FAE] =	sst s9;
	s0 =	simm.s32 @!p0 $0x0  }
0x12: {  	s1 =	sld [smem:$0x3F94];
	s0 =	simm.s32 @p0 $0x1  }
0x13: {  	[smem:$0x3FAF] =	sst s0;
	s0 =	simm.s32 @!p1 $0x0  }
0x14: {  	s2 =	sld [smem:$0x3F93];
	s0 =	simm.s32 @p1 $0x1  }
0x15: {  	[smem:$0x3FB0] =	sst s0;
	s0 =	simm.s32 @!p2 $0x0  }
0x16: {  	s3 =	sld [smem:$0x3FDB];
	s0 =	simm.s32 @p2 $0x1  }
0x17: {  	s4 =	simm.s32 $0x1BF5;
	[smem:$0x3FB2] =	sst s0  }
0x18: {  	s0 =	sld [smem:$0x3F95];
	_ =	swait.ge [sflag:s4], $0x0  }
0x19: {  	s7 =	sld [smem:$0x3F96]  }
0x1a: {  	s8 =	sadd.s32 $0xFFFFE003, lr  }
0x1b: {  	s9 =	sadd.s32 $0xFFFFFEF7, lr;
	s5 =	simm.s32 $0xFFFFFFFF;
	p2 =	slt.u32 s8, $0xFFFFF086  }
0x1c: {  	p1 =	slt.u32 s9, $0xF7A;
	s5 =	simm.s32 @!p2 $0x0  }
0x1d: {  	s5 =	simm.s32 @p1 $0x1;
	p0 =	seq.s32 s7, s2  }
0x1e: {  	s7 =	smul.u32 @!p0 $0xF7A, s2;
	p2 =	seq.s32 @!p0 s5, $0x0  }
0x1f: {  	s9 =	smul.u32 $0xF7A, s1;
	s8 =	simm.s32 @!p0 $0x1BF5;
	p2 =	por !p2, p0  }
0x20: {  	[sflag:s8] =	ssyncset.s32 @!p0 $0xFFFFF086;
	s6 =	sadd.s32 @!p0 s3, s7;
	s7 =	simm.s32 @!p0 $0x108  }
0x21: {  	s3 =	sadd.s32 s3, s9;
	s6 =	sadd.s32 @!p0 $0x88, s6;
	s7 =	simm.s32 @p2 $0x1082  }
0x22: {  	[simem:s7], [sflag:s8] =	dma.local @!p0 [hbm:s6], $0xF7A  }
0x23: {  	s9 =	sor.u32 $0xD0000000, s2;
	s6 =	simm.s32 $0x108;
	_ =	swait.ge @!p0 [sflag:s8], $0x0  }
0x24: {  	s3 =	sadd.s32 $0x88, s3;
	s6 =	simm.s32 @!p1 $0x1082;
	[sflag:s4] =	ssyncset.s32 $0xFFFFF086  }
0x25: {  	[simem:s6], [sflag:s4] =	dma.local [hbm:s3], $0xF7A  }
0x26: {  	[smem:$0x3F96] =	sst s1;
	(tag) =	ssettag s2;
	_ =	strace s9  }
0x27: {  	s1 =	sld [smem:$0x3FA6]  }
0x28: {  	s2 =	sld [smem:$0x3FA7]  }
0x29: {  	s4 =	sld [smem:$0x3FA9]  }
0x2a: {  	p0 =	seq.s32 s5, $0x0;
	s5 =	sld [smem:$0x3FAA]  }
0x2b: {  	s6 =	sld [smem:$0x3FAB]  }
0x2c: {  	s7 =	sld [smem:$0x3FAC]  }
0x2d: {  	s3 =	simm.s32 $0x108;
	s8 =	sld [smem:$0x3FAD]  }
0x2e: {  	s3 =	simm.s32 @!p0 $0x1082;
	s9 =	sld [smem:$0x3FAE]  }
0x2f: {  	lr =	sadd.s32 s0, s3;
	s0 =	sld [smem:$0x3FA5]  }
0x30: {  	s3 =	sld [smem:$0x3FA8]  }
0x31: {  	[smem:$0x3FB1] =	sst s10  }
0x32: {  	s10 =	sld [smem:$0x3FAF];
	_ =	sdelay $0x3  }
0x33: {  	p0 =	seq.s32 s10, $0x1;
	s10 =	sld [smem:$0x3FB1];
	_ =	sdelay $0x3  }
0x34: {  	[smem:$0x3FB1] =	sst s10  }
0x35: {  	s10 =	sld [smem:$0x3FB0];
	_ =	sdelay $0x3  }
0x36: {  	p1 =	seq.s32 s10, $0x1;
	s10 =	sld [smem:$0x3FB1];
	_ =	sdelay $0x3  }
0x37: {  	[smem:$0x3FB1] =	sst s10  }
0x38: {  	s10 =	sld [smem:$0x3FB2]  }
0x39: {  	_ = 	snop;
	(pc) =	sbr.ind lr, $3  }
0x3a: {  	_ = 	snop  }
0x3b: {  	_ = 	snop  }
0x3c: {  	p2 =	seq.s32 s10, $0x1;
	s10 =	sld [smem:$0x3FB1]  }
0x3d: {  	_ =	shalt  }
0x3e: {  	_ =	shalt  }
0x3f: {  	_ =	shalt  }
0x40: {  	_ =	shalt  }
0x41: {  	_ =	shalt  }
0x42: {  	_ =	shalt  }
0x43: {  	_ =	shalt  }
0x44: {  	_ =	shalt  }
0x45: {  	_ =	shalt  }
0x46: {  	_ =	shalt  }
0x47: {  	_ =	shalt  }
0x48: {  	_ =	shalt  }
0x49: {  	_ =	shalt  }
0x4a: {  	_ =	shalt  }
0x4b: {  	_ =	shalt  }
0x4c: {  	_ =	shalt  }
0x4d: {  	_ =	shalt  }
0x4e: {  	_ =	shalt  }
0x4f: {  	_ =	shalt  }
0x50: {  	_ =	shalt  }
0x51: {  	_ =	shalt  }
0x52: {  	_ =	shalt  }
0x53: {  	_ =	shalt  }
0x54: {  	_ =	shalt  }
0x55: {  	_ =	shalt  }
0x56: {  	_ =	shalt  }
0x57: {  	_ =	shalt  }
0x58: {  	_ =	shalt  }
0x59: {  	_ =	shalt  }
0x5a: {  	_ =	shalt  }
0x5b: {  	_ =	shalt  }
0x5c: {  	_ =	shalt  }
0x5d: {  	_ =	shalt  }
0x5e: {  	_ =	shalt  }
0x5f: {  	_ =	shalt  }
0x60: {  	_ =	shalt  }
0x61: {  	_ =	shalt  }
0x62: {  	_ =	shalt  }
0x63: {  	_ =	shalt  }
0x64: {  	_ =	shalt  }
0x65: {  	_ =	shalt  }
0x66: {  	_ =	shalt  }
0x67: {  	_ =	shalt  }
0x68: {  	_ =	shalt  }
0x69: {  	_ =	shalt  }
0x6a: {  	_ =	shalt  }
0x6b: {  	_ =	shalt  }
0x6c: {  	_ =	shalt  }
0x6d: {  	_ =	shalt  }
0x6e: {  	_ =	shalt  }
0x6f: {  	_ =	shalt  }
0x70: {  	_ =	shalt  }
0x71: {  	_ =	shalt  }
0x72: {  	_ =	shalt  }
0x73: {  	_ =	shalt  }
0x74: {  	_ =	shalt  }
0x75: {  	_ =	shalt  }
0x76: {  	_ =	shalt  }
0x77: {  	_ =	shalt  }
0x78: {  	_ =	shalt  }
0x79: {  	_ =	shalt  }
0x7a: {  	_ =	shalt  }
0x7b: {  	_ =	shalt  }
0x7c: {  	_ =	shalt  }
0x7d: {  	_ =	shalt  }
0x7e: {  	_ =	shalt  }
0x7f: {  	_ =	shalt  }
0x80: {  	_ =	shalt  }
0x81: {  	_ =	shalt  }
0x82: {  	_ =	shalt  }
0x83: {  	_ =	shalt  }
0x84: {  	_ =	shalt  }
0x85: {  	_ =	shalt  }
0x86: {  	_ =	shalt  }
0x87: {  	_ =	shalt  }
.Lfunc_end0:
.L_simem_size_0:
called_computation.1_lowered:
.L_overlay_start_0:
0x88: {  	s2 =	sld [smem:$0x3FD9]  }
0x89: {  	s3 =	sld [smem:$0x3FFE];
	_ =	sdelay $0x1  }
0x8a: {  	s1 =	srdreg.scid  }
0x8b: {  	s0 =	sand.u32 $0x1, s1  }
0x8c: {  	s16 =	sshll.u32 s0, $0xA;
	s2 =	sadd.s32 s3, s2  }
0x8d: {  	s2 =	sadd.s32 s2, s16  }
0x8e: {  	[smem:$0x3FBD] =	sst s2  }
0x8f: {  	_ = 	snop  }
0x90: {  	(tm) =	ssettm $0x1  }
0x91: {  	s17 =	sld [smem:$0x3FFB];
	_ =	sdelay $0x3  }
0x92: {  	_ =	strace s17  }
0x93: {  	s2 =	sld [smem:$0x3FFC];
	_ =	sdelay $0x3  }
0x94: {  	_ =	strace s2  }
0x95: {  	s2 =	sld [smem:$0x3FFD];
	_ =	sdelay $0x3  }
0x96: {  	_ =	strace s2  }
0x97: {  	_ =	strace $0x8FFFFFFF  }
0x98: {  	s18 =	sld [smem:$0x3FDB];
	_ =	sdelay $0x1  }
0x99: {  	s19 =	simm.s32 $_scs_section_size  }
0x9a: {  	s4 =	simm.s32 $_size__tile_overlayer_lowered;
	s5 =	simm.s32 $_tile_overlayer_lowered  }
0x9b: {  	s22 =	simm.s32 $0x1BFF;
	s21 =	sshll.u32 s5, $0x1;
	s2 =	sadd.s32 s19, s18  }
0x9c: {  	s6 =	simm.s32 $0x0;
	s20 =	sshll.u32 s4, $0x1;
	s4 =	sadd.s32 s21, s2  }
0x9d: {  	[timem:s6], [sflag:s22] =	dma.local [hbm:s4], s20  }
0x9e: {  	_ =	swait.ge [sflag:s22], s20  }
0x9f: {  	s3 =	ssub.s32 $0x0, s20;
	[sflag:s22] =	ssyncset.done $0x0  }
0xa0: {  	[sflag:s22] =	ssyncadd.s32 s3;
	_ =	sdelay $0x1  }
0xa1: {  	s23 =	simm.s32 $0x1B8B  }
0xa2: {  	_ =	swait.ge [sflag:s23], $0x1  }
0xa3: {  	[sflag:s23] =	ssyncset.done $0x0  }
0xa4: {  	s25 =	simm.s32 $0x1B8E;
	s24 =	sld [smem:$0x3FFE];
	[sflag:s23] =	ssyncadd.s32 $0xFFFFFFFF  }
0xa5: {  	s26 =	simm.s32 $execute0_lowered;
	[smem:$0x3FD2] =	sst s25  }
0xa6: {  	s4 =	sshll.u32 s26, $0x1;
	_ =	strace $0x80000049;
	[dreg:$0x1] =	wrdreg $0xFFFFFFFF  }
0xa7: {  	s28 =	simm.s32 $_size_execute0_lowered;
	s2 =	sadd.s32 s2, s4;
	[dreg:$0x0] =	wrdreg $0x0  }
0xa8: {  	s4 =	sshll.u32 s28, $0x1;
	[dreg:$0x2] =	wrdreg s2  }
0xa9: {  	[dreg:$0x3] =	wrdreg s4  }
0xaa: {  	[dreg:$0x4] =	wrdreg $0xC0  }
0xab: {  	_ =	task [dreg:s6], $0x5FFFF  }
0xac: {  	[dreg:$0x1] =	wrdreg $0xFFFFFFFF  }
0xad: {  	[dreg:$0x0] =	wrdreg $0x60  }
0xae: {  	[dreg:$0x2] =	wrdreg s24  }
0xaf: {  	[dreg:$0x3] =	wrdreg $0x0  }
0xb0: {  	[dreg:$0x4] =	wrdreg $0x9  }
0xb1: {  	_ =	task.clear_ibuf [dreg:s6], $0x5FFFF;
	_ =	strace $0x90000049  }
0xb2: {  	s29 =	simm.s32 $0x9;
	_ =	strace $0x8000004B  }
0xb3: {  	_ =	swait.ge [sflag:s29], $0x1  }
0xb4: {  	[sflag:s29] =	ssyncadd.s32 $0xFFFFFFFF  }
0xb5: {  	_ =	strace $0x9000004B  }
0xb6: {  	_ =	sfence  }
0xb7: {  	s30 =	sld [smem:$0x0];
	_ =	sdelay $0x2  }
0xb8: {  	s31 =	sshll.u32 s1, $0xD;
	s1 =	sshrl.u32 s1, $0x2  }
0xb9: {  	s3 =	sand.u32 $0x4000, s31;
	s1 =	sadd.s32 s1, s30  }
0xba: {  	s0 =	sor.u32 s3, s0;
	s1 =	sshll.u32 s1, $0x11  }
0xbb: {  	s0 =	sor.u32 s1, s0  }
0xbc: {  	s0 =	sadd.s32 $0x8F2B, s0  }
0xbd: {  	[sflag:s0] =	ssyncadd.remote.s32 $0x1  }
0xbe: {  	_ =	sfence.sel $0xFFFF  }
0xbf: {  	[dreg:$0x0] =	wrdreg $0xFFFFFFFF;
	(pc) =	sbr.abs _section_cstart, $3  }
0xc0: {  	[dreg:$0x1] =	wrdreg $0xFFFFFFFF  }
0xc1: {  	_ =	task.clear_ibuf [dreg:s6], $0x2FFFF;
	_ =	strace $0x9FFFFFFF  }
0xc2: {  	(tm) =	ssettm $0x7FFFFFFF  }
0xc3: {  	_ =	shalt  }
tec
execute0_lowered:
.L_overlay_start_1:
0x0: {  	(tag) =	ssettag $0x1  }
0x1: {  	s6 =	rddreg [dreg:$0x0]  }
0x2: {  	s1 =	rddreg [dreg:$0x1]  }
0x3: {  	s2 =	srdreg.scid;
	s0 =	rddreg [dreg:$0x2];
	s3 =	simm.s32 $0x0  }
0x4: {  	s13 =	simm.s32 $0x50;
	s14 =	simm.s32 $0x18000;
	s15 =	simm.s32 $0x18200  }
0x5: {  	s16 =	simm.s32 $0x18100;
	s17 =	simm.s32 $0x1AA00;
	s18 =	simm.s32 $0x1  }
0x6: {  	s19 =	simm.s32 $0x18080;
	s20 =	simm.s32 $0x2;
	s21 =	simm.s32 $0x18180  }
0x7: {  	s22 =	simm.s32 $0x0;
	s7 =	sand.u32 $0x1, s2;
	s2 =	stileid.u32  }
0x8: {  	[smem:$0x7FF] =	sst s3;
	s4 =	sadd.s32 $0x13A00, s6;
	s8 =	smul.u32 $0x140000, s7  }
0x9: {  	s5 =	sshll.u32 s2, $0xB;
	s9 =	smul.u32 $0x14000, s2;
	_ =	strace $0x8000004A  }
0xa: {  	s28 =	ssub.s32 $0x2, s7;
	s12 =	smul.u32 $0x50000, s2;
	s29 =	sshll.u32 s7, $0xF  }
0xb: {  	s31 =	sshll.u32 s2, $0x6;
	s10 =	sadd.s32 s5, s6;
	s11 =	sshrl.u32 s28, $0x1  }
0xc: {  	s5 =	sadd.s32 $0x11200, s6;
	s8 =	sadd.s32 s9, s8;
	s9 =	ssub.s32 s28, s11  }
0xd: {  	s30 =	sshrl.u32 s12, $0x2;
	s10 =	sadd.s32 s29, s10;
	s11 =	simm.s32 $0x3  }
0xe: {  	s8 =	sshrl.u32 s8, $0x3;
	s12 =	sadd.s32 s30, s1;
	s7 =	sadd.s32 $0x1200, s10  }
0xf: {  	s9 =	smax.u32 s9, $0x1;
	s8 =	sadd.s32 s8, s6;
	s6 =	sor.u32 $0x1C03, s31  }
0x10: {  	s10 =	sshrl.u32 s12, $0x3;
	s12 =	simm.s32 $0x14000;
	s8 =	sadd.s32 $0x3BA00, s8  }
.LBB2_1:
0x11: {  	[spmem:s10], [sflag:s6] =	dma.local [hbm:s5], $0x2800  }
0x12: {  	_ =	swait.ge [sflag:s11], $0x2800  }
0x13: {  	[sflag:s11] =	ssyncset.done $0x0  }
0x14: {  	[sflag:s11] =	ssyncadd.s32 $0xFFFFD800  }
0x15: {  	[tilespmem:s12], [sflag:$0x3] =	stream.linear.gather [hbm4b:s7+s3], $0x3E80, $0x38;
	[tilespmem:$0x1D200] =	vst v63  }
0x16: {  	_ =	swait.ge [sflag:s11], $0x3E80  }
0x17: {  	[sflag:s11] =	ssyncset.done $0x0  }
0x18: {  	[sflag:s11] =	ssyncadd.s32 $0xFFFFC180  }
0x19: {  	[bflag:$0x0] =	sbarrier.arrive $0xFFFF  }
0x1a: {  	v0 =	vld [tilespmem:$0x14000];
	_ =	sdelay $0x1  }
0x1b: {  	v1 =	vld [tilespmem:$0x14010];
	_ =	sdelay $0x1  }
0x1c: {  	v2 =	vld [tilespmem:$0x14020]  }
0x1d: {  	v3 =	vand.u32 $0x3FFF, v0  }
0x1e: {  	v0 =	vshrl.u32 v0, $0xE;
	[tilespmem:$0x18000] =	vst v3;
	v3 =	vld [tilespmem:$0x14030]  }
0x1f: {  	[tilespmem:$0x18080] =	vst v0;
	v0 =	vand.u32 $0x3FFF, v1  }
0x20: {  	[tilespmem:$0x18010] =	vst v0;
	v0 =	vshrl.u32 v1, $0xE;
	v1 =	vld [tilespmem:$0x14040]  }
0x21: {  	[tilespmem:$0x18090] =	vst v0;
	v0 =	vand.u32 $0x3FFF, v2  }
0x22: {  	[tilespmem:$0x18020] =	vst v0;
	v0 =	vshrl.u32 v2, $0xE  }
0x23: {  	[tilespmem:$0x180A0] =	vst v0;
	v0 =	vand.u32 $0x3FFF, v3  }
0x24: {  	[tilespmem:$0x18030] =	vst v0;
	v0 =	vshrl.u32 v3, $0xE  }
0x25: {  	[tilespmem:$0x180B0] =	vst v0;
	v0 =	vand.u32 $0x3FFF, v1  }
0x26: {  	[tilespmem:$0x18040] =	vst v0;
	v0 =	vshrl.u32 v1, $0xE  }
0x27: {  	s24 =	simm.s32 $0x0;
	[tilespmem:$0x180C0] =	vst v0  }
0x28: {  	[tilespmem:s15], [sflag:$0x1] =	stream.indirect.gather [hbm4b:s4+s13], $0x80, s14, s13, $0xb8;
	[tilespmem:$0x1D200] =	vst v63  }
0x29: {  	v0 =	vld [tilespmem:s24+$0x14080];
	_ =	sdelay $0x4  }
0x2a: {  	v1 =	vand.u32 $0x3FFF, v0  }
0x2b: {  	v0 =	vshrl.u32 v0, $0xE;
	[tilespmem:$0x18100] =	vst v1  }
0x2c: {  	[tilespmem:$0x18180] =	vst v0  }
0x2d: {  	v0 =	vld [tilespmem:s24+$0x14090];
	_ =	sdelay $0x4  }
0x2e: {  	v1 =	vand.u32 $0x3FFF, v0  }
0x2f: {  	v0 =	vshrl.u32 v0, $0xE;
	[tilespmem:$0x18110] =	vst v1  }
0x30: {  	[tilespmem:$0x18190] =	vst v0  }
0x31: {  	v0 =	vld [tilespmem:s24+$0x140A0];
	_ =	sdelay $0x4  }
0x32: {  	v1 =	vand.u32 $0x3FFF, v0  }
0x33: {  	v0 =	vshrl.u32 v0, $0xE;
	[tilespmem:$0x18120] =	vst v1  }
0x34: {  	[tilespmem:$0x181A0] =	vst v0  }
0x35: {  	v0 =	vld [tilespmem:s24+$0x140B0];
	_ =	sdelay $0x4  }
0x36: {  	v1 =	vand.u32 $0x3FFF, v0  }
0x37: {  	v0 =	vshrl.u32 v0, $0xE;
	[tilespmem:$0x18130] =	vst v1  }
0x38: {  	[tilespmem:$0x181B0] =	vst v0  }
0x39: {  	v0 =	vld [tilespmem:s24+$0x140C0];
	_ =	sdelay $0x4  }
0x3a: {  	v1 =	vand.u32 $0x3FFF, v0  }
0x3b: {  	v0 =	vshrl.u32 v0, $0xE;
	[tilespmem:$0x18140] =	vst v1  }
0x3c: {  	[tilespmem:$0x181C0] =	vst v0  }
0x3d: {  	[tilespmem:s17], [sflag:$0x2] =	stream.indirect.gather [hbm4b:s4+s13], $0x80, s16, s13, $0xb8;
	[tilespmem:$0x1D200] =	vst v63  }
0x3e: {  	_ =	swait.ge [sflag:s18], $0x2800  }
0x3f: {  	[sflag:s18] =	ssyncset.done $0x0  }
0x40: {  	[sflag:s18] =	ssyncadd.s32 $0xFFFFD800  }
0x41: {  	[spmem:s1] =	stream.indirect.scatter.add.f32 [tilespmem:s15], [sflag:$0x3], $0x80, s19, s13, $0xb8;
	[tilespmem:$0x1D200] =	vst v63  }
0x42: {  	_ =	swait.ge [sflag:s11], $0x2800  }
0x43: {  	[sflag:s11] =	ssyncset.done $0x0  }
0x44: {  	[sflag:s11] =	ssyncadd.s32 $0xFFFFD800  }
0x45: {  	v0 =	vld [tilespmem:s24+$0x14100];
	_ =	sdelay $0x4  }
0x46: {  	v1 =	vand.u32 $0x3FFF, v0  }
0x47: {  	v0 =	vshrl.u32 v0, $0xE;
	[tilespmem:$0x18000] =	vst v1  }
0x48: {  	[tilespmem:$0x18080] =	vst v0  }
0x49: {  	v0 =	vld [tilespmem:s24+$0x14110];
	_ =	sdelay $0x4  }
0x4a: {  	v1 =	vand.u32 $0x3FFF, v0  }
0x4b: {  	v0 =	vshrl.u32 v0, $0xE;
	[tilespmem:$0x18010] =	vst v1  }
0x4c: {  	[tilespmem:$0x18090] =	vst v0  }
0x4d: {  	v0 =	vld [tilespmem:s24+$0x14120];
	_ =	sdelay $0x4  }
0x4e: {  	v1 =	vand.u32 $0x3FFF, v0  }
0x4f: {  	v0 =	vshrl.u32 v0, $0xE;
	[tilespmem:$0x18020] =	vst v1  }
0x50: {  	[tilespmem:$0x180A0] =	vst v0  }
0x51: {  	v0 =	vld [tilespmem:s24+$0x14130];
	_ =	sdelay $0x4  }
0x52: {  	v1 =	vand.u32 $0x3FFF, v0  }
0x53: {  	v0 =	vshrl.u32 v0, $0xE;
	[tilespmem:$0x18030] =	vst v1  }
0x54: {  	[tilespmem:$0x180B0] =	vst v0  }
0x55: {  	s23 =	simm.s32 $0x400;
	v0 =	vld [tilespmem:s24+$0x14140]  }
.LBB2_2:
0x56: {  	_ =	sdelay $0x3  }
0x57: {  	p0 =	sne.s32 s23, $0xF400;
	s24 =	smov.u32 s23;
	s23 =	sadd.s32 $0x400, s23;
	v1 =	vand.u32 $0x3FFF, v0;
	v0 =	vshrl.u32 v0, $0xE  }
0x58: {  	[tilespmem:$0x18040] =	vst v1  }
0x59: {  	[tilespmem:$0x180C0] =	vst v0  }
0x5a: {  	[tilespmem:s15], [sflag:$0x1] =	stream.indirect.gather [hbm4b:s4+s13], $0x80, s14, s13, $0xb8;
	[tilespmem:$0x1D200] =	vst v63  }
0x5b: {  	_ =	swait.ge [sflag:s20], $0x2800  }
0x5c: {  	[sflag:s20] =	ssyncset.done $0x0  }
0x5d: {  	[sflag:s20] =	ssyncadd.s32 $0xFFFFD800  }
0x5e: {  	[spmem:s1] =	stream.indirect.scatter.add.f32 [tilespmem:s17], [sflag:$0x3], $0x80, s21, s13, $0xb8;
	[tilespmem:$0x1D200] =	vst v63  }
0x5f: {  	_ =	swait.ge [sflag:s11], $0x2800  }
0x60: {  	[sflag:s11] =	ssyncset.done $0x0  }
0x61: {  	s24 =	sshra.s32 s24, $0x2;
	[sflag:s11] =	ssyncadd.s32 $0xFFFFD800  }
0x62: {  	v0 =	vld [tilespmem:s24+$0x14080];
	_ =	sdelay $0x4  }
0x63: {  	v1 =	vand.u32 $0x3FFF, v0;
	v0 =	vshrl.u32 v0, $0xE  }
0x64: {  	[tilespmem:$0x18100] =	vst v1  }
0x65: {  	[tilespmem:$0x18180] =	vst v0  }
0x66: {  	v0 =	vld [tilespmem:s24+$0x14090];
	_ =	sdelay $0x4  }
0x67: {  	v1 =	vand.u32 $0x3FFF, v0;
	v0 =	vshrl.u32 v0, $0xE  }
0x68: {  	[tilespmem:$0x18110] =	vst v1  }
0x69: {  	[tilespmem:$0x18190] =	vst v0  }
0x6a: {  	v0 =	vld [tilespmem:s24+$0x140A0];
	_ =	sdelay $0x4  }
0x6b: {  	v1 =	vand.u32 $0x3FFF, v0;
	v0 =	vshrl.u32 v0, $0xE  }
0x6c: {  	[tilespmem:$0x18120] =	vst v1  }
0x6d: {  	[tilespmem:$0x181A0] =	vst v0  }
0x6e: {  	v0 =	vld [tilespmem:s24+$0x140B0];
	_ =	sdelay $0x4  }
0x6f: {  	v1 =	vand.u32 $0x3FFF, v0;
	v0 =	vshrl.u32 v0, $0xE  }
0x70: {  	[tilespmem:$0x18130] =	vst v1  }
0x71: {  	[tilespmem:$0x181B0] =	vst v0  }
0x72: {  	v0 =	vld [tilespmem:s24+$0x140C0];
	_ =	sdelay $0x4  }
0x73: {  	v1 =	vand.u32 $0x3FFF, v0;
	v0 =	vshrl.u32 v0, $0xE  }
0x74: {  	[tilespmem:$0x18140] =	vst v1  }
0x75: {  	[tilespmem:$0x181C0] =	vst v0  }
0x76: {  	[tilespmem:s17], [sflag:$0x2] =	stream.indirect.gather [hbm4b:s4+s13], $0x80, s16, s13, $0xb8;
	[tilespmem:$0x1D200] =	vst v63  }
0x77: {  	_ =	swait.ge [sflag:s18], $0x2800  }
0x78: {  	[sflag:s18] =	ssyncset.done $0x0  }
0x79: {  	[sflag:s18] =	ssyncadd.s32 $0xFFFFD800  }
0x7a: {  	[spmem:s1] =	stream.indirect.scatter.add.f32 [tilespmem:s15], [sflag:$0x3], $0x80, s19, s13, $0xb8;
	[tilespmem:$0x1D200] =	vst v63  }
0x7b: {  	_ =	swait.ge [sflag:s11], $0x2800  }
0x7c: {  	[sflag:s11] =	ssyncset.done $0x0  }
0x7d: {  	[sflag:s11] =	ssyncadd.s32 $0xFFFFD800  }
0x7e: {  	v0 =	vld [tilespmem:s24+$0x14100];
	_ =	sdelay $0x4  }
0x7f: {  	v1 =	vand.u32 $0x3FFF, v0;
	v0 =	vshrl.u32 v0, $0xE  }
0x80: {  	[tilespmem:$0x18000] =	vst v1  }
0x81: {  	[tilespmem:$0x18080] =	vst v0  }
0x82: {  	v0 =	vld [tilespmem:s24+$0x14110];
	_ =	sdelay $0x4  }
0x83: {  	v1 =	vand.u32 $0x3FFF, v0;
	v0 =	vshrl.u32 v0, $0xE  }
0x84: {  	[tilespmem:$0x18010] =	vst v1  }
0x85: {  	[tilespmem:$0x18090] =	vst v0  }
0x86: {  	v0 =	vld [tilespmem:s24+$0x14120];
	_ =	sdelay $0x4  }
0x87: {  	v1 =	vand.u32 $0x3FFF, v0;
	v0 =	vshrl.u32 v0, $0xE  }
0x88: {  	[tilespmem:$0x18020] =	vst v1  }
0x89: {  	[tilespmem:$0x180A0] =	vst v0  }
0x8a: {  	v0 =	vld [tilespmem:s24+$0x14130];
	_ =	sdelay $0x3  }
.Ltmp0:
0x8b: {  	(pc) =	sbr.rel @p0 .LBB2_2-.Ltmp0, $4  }
0x8c: {  	v1 =	vand.u32 $0x3FFF, v0;
	v0 =	vshrl.u32 v0, $0xE  }
0x8d: {  	[tilespmem:$0x18030] =	vst v1  }
0x8e: {  	[tilespmem:$0x180B0] =	vst v0  }
0x8f: {  	v0 =	vld [tilespmem:s24+$0x14140]  }
0x90: {  	_ =	sdelay $0x3  }
0x91: {  	v1 =	vand.u32 $0x3FFF, v0  }
0x92: {  	v63 =	vshrl.u32 v0, $0xE;
	[tilespmem:$0x18040] =	vst v1  }
0x93: {  	[tilespmem:$0x180C0] =	vst v63  }
0x94: {  	[tilespmem:s15], [sflag:$0x1] =	stream.indirect.gather [hbm4b:s4+s13], $0x80, s14, s13, $0xb8;
	[tilespmem:$0x1D200] =	vst v63  }
0x95: {  	_ =	swait.ge [sflag:s20], $0x2800  }
0x96: {  	[sflag:s20] =	ssyncset.done $0x0  }
0x97: {  	[sflag:s20] =	ssyncadd.s32 $0xFFFFD800  }
0x98: {  	[spmem:s1] =	stream.indirect.scatter.add.f32 [tilespmem:s17], [sflag:$0x3], $0x80, s21, s13, $0xb8;
	[tilespmem:$0x1D200] =	vst v63  }
0x99: {  	_ =	swait.ge [sflag:s11], $0x2800  }
0x9a: {  	[sflag:s11] =	ssyncset.done $0x0  }
0x9b: {  	[sflag:s11] =	ssyncadd.s32 $0xFFFFD800  }
0x9c: {  	_ =	swait.ge [sflag:s18], $0x2800  }
0x9d: {  	[sflag:s18] =	ssyncset.done $0x0  }
0x9e: {  	[sflag:s18] =	ssyncadd.s32 $0xFFFFD800  }
0x9f: {  	[spmem:s1] =	stream.indirect.scatter.add.f32 [tilespmem:s15], [sflag:$0x3], $0x80, s19, s13, $0xb8;
	[tilespmem:$0x1D200] =	vst v63  }
0xa0: {  	_ =	swait.ge [sflag:s11], $0x2800  }
0xa1: {  	s22 =	sadd.s32 $0x1, s22;
	[sflag:s11] =	ssyncset.done $0x0  }
0xa2: {  	p0 =	sne.s32 s22, s9;
	[sflag:s11] =	ssyncadd.s32 $0xFFFFD800  }
.Ltmp1:
0xa3: {  	[bflag:$0x0] =	sbarrier.arrive $0xFFFF;
	(pc) =	sbr.rel @p0 .LBB2_1-.Ltmp1, $4  }
0xa4: {  	[hbm:s8], [sflag:s6] =	dma.local [spmem:s10], $0x2800  }
0xa5: {  	_ =	swait.ge [sflag:s11], $0x2800  }
0xa6: {  	[sflag:s11] =	ssyncset.done $0x0  }
0xa7: {  	[sflag:s11] =	ssyncadd.s32 $0xFFFFD800  }
0xa8: {  	_ =	sfence.sel $0x180000  }
0xa9: {  	[bflag:$0x0] =	sbarrier.arrive $0xFFFF  }
0xaa: {  	p0 =	sne.s32 s2, $0x0;
	_ =	strace $0x9000004A  }
0xab: {  	s0 =	sadd.s32 @!p0 $0x100000, s0;
	[bflag:$0x2] =	sbarrier.arrive $0xFFFF  }
0xac: {  	[sflag:s0] =	ssyncadd.tile.s32 @!p0 $0x1;
	_ =	shalt  }
.Lfunc_end2:
_tile_overlayer_lowered:
.L_overlay_start_2:
0xad: {  	(tag) =	ssettag $0x2  }
0xae: {  	s0 =	rddreg [dreg:$0x0];
	s2 =	stileid.u32  }
0xaf: {  	s1 =	rddreg [dreg:$0x1];
	p0 =	sne.s32 s2, $0x0  }
0xb0: {  	s3 =	rddreg [dreg:$0x2];
	[bflag:$0x3] =	sbarrier.arrive $0xFFFF;
	s2 =	simm.s32 @!p0 $0x1C03  }
0xb1: {  	[timem:s3], [sflag:s2] =	dma.local @!p0 [hbm:s0], s1  }
0xb2: {  	s0 =	simm.s32 @!p0 $0x3  }
0xb3: {  	_ =	swait.ge @!p0 [sflag:s0], s1  }
0xb4: {  	s1 =	ssub.s32 @!p0 $0x0, s1;
	[sflag:s0] =	ssyncset.done @!p0 $0x0  }
0xb5: {  	[sflag:s0] =	ssyncadd.s32 @!p0 s1  }
0xb6: {  	[bflag:$0x3] =	sbarrier.arrive $0xFFFF  }
0xb7: {  	_ =	shalt  }

// kernel: kernel.7.cloned.1.call-start
scs
__scs_entry_jumppad:
0x0: {  	(pc) =	sbr.rel $0x88, $3  }
0x1: {  	(tag) =	ssettag $0x0;
	lr =	simm.s32 $0x1  }
0x2: {  	[smem:$0x3F96] =	sst lr;
	_ =	strace $0xD0000000  }
0x3: {  	_ = 	snop  }
0x4: {  	_ = 	snop  }
0x5: {  	_ = 	snop  }
0x6: {  	_ = 	snop  }
0x7: {  	_ = 	snop  }
__scs_overlays_trampoline_lowered:
0x8: {  	[smem:$0x3FA5] =	sst s0  }
0x9: {  	[smem:$0x3FA6] =	sst s1  }
0xa: {  	[smem:$0x3FA7] =	sst s2  }
0xb: {  	[smem:$0x3FA8] =	sst s3  }
0xc: {  	[smem:$0x3FA9] =	sst s4  }
0xd: {  	[smem:$0x3FAA] =	sst s5  }
0xe: {  	[smem:$0x3FAB] =	sst s6  }
0xf: {  	[smem:$0x3FAC] =	sst s7  }
0x10: {  	[smem:$0x3FAD] =	sst s8  }
0x11: {  	[smem:$0x3FAE] =	sst s9;
	s0 =	simm.s32 @!p0 $0x0  }
0x12: {  	s1 =	sld [smem:$0x3F94];
	s0 =	simm.s32 @p0 $0x1  }
0x13: {  	[smem:$0x3FAF] =	sst s0;
	s0 =	simm.s32 @!p1 $0x0  }
0x14: {  	s2 =	sld [smem:$0x3F93];
	s0 =	simm.s32 @p1 $0x1  }
0x15: {  	[smem:$0x3FB0] =	sst s0;
	s0 =	simm.s32 @!p2 $0x0  }
0x16: {  	s3 =	sld [smem:$0x3FDB];
	s0 =	simm.s32 @p2 $0x1  }
0x17: {  	s4 =	simm.s32 $0x1BF5;
	[smem:$0x3FB2] =	sst s0  }
0x18: {  	s0 =	sld [smem:$0x3F95];
	_ =	swait.ge [sflag:s4], $0x0  }
0x19: {  	s7 =	sld [smem:$0x3F96]  }
0x1a: {  	s8 =	sadd.s32 $0xFFFFE003, lr  }
0x1b: {  	s9 =	sadd.s32 $0xFFFFFEF7, lr;
	s5 =	simm.s32 $0xFFFFFFFF;
	p2 =	slt.u32 s8, $0xFFFFF086  }
0x1c: {  	p1 =	slt.u32 s9, $0xF7A;
	s5 =	simm.s32 @!p2 $0x0  }
0x1d: {  	s5 =	simm.s32 @p1 $0x1;
	p0 =	seq.s32 s7, s2  }
0x1e: {  	s7 =	smul.u32 @!p0 $0xF7A, s2;
	p2 =	seq.s32 @!p0 s5, $0x0  }
0x1f: {  	s9 =	smul.u32 $0xF7A, s1;
	s8 =	simm.s32 @!p0 $0x1BF5;
	p2 =	por !p2, p0  }
0x20: {  	[sflag:s8] =	ssyncset.s32 @!p0 $0xFFFFF086;
	s6 =	sadd.s32 @!p0 s3, s7;
	s7 =	simm.s32 @!p0 $0x108  }
0x21: {  	s3 =	sadd.s32 s3, s9;
	s6 =	sadd.s32 @!p0 $0x88, s6;
	s7 =	simm.s32 @p2 $0x1082  }
0x22: {  	[simem:s7], [sflag:s8] =	dma.local @!p0 [hbm:s6], $0xF7A  }
0x23: {  	s9 =	sor.u32 $0xD0000000, s2;
	s6 =	simm.s32 $0x108;
	_ =	swait.ge @!p0 [sflag:s8], $0x0  }
0x24: {  	s3 =	sadd.s32 $0x88, s3;
	s6 =	simm.s32 @!p1 $0x1082;
	[sflag:s4] =	ssyncset.s32 $0xFFFFF086  }
0x25: {  	[simem:s6], [sflag:s4] =	dma.local [hbm:s3], $0xF7A  }
0x26: {  	[smem:$0x3F96] =	sst s1;
	(tag) =	ssettag s2;
	_ =	strace s9  }
0x27: {  	s1 =	sld [smem:$0x3FA6]  }
0x28: {  	s2 =	sld [smem:$0x3FA7]  }
0x29: {  	s4 =	sld [smem:$0x3FA9]  }
0x2a: {  	p0 =	seq.s32 s5, $0x0;
	s5 =	sld [smem:$0x3FAA]  }
0x2b: {  	s6 =	sld [smem:$0x3FAB]  }
0x2c: {  	s7 =	sld [smem:$0x3FAC]  }
0x2d: {  	s3 =	simm.s32 $0x108;
	s8 =	sld [smem:$0x3FAD]  }
0x2e: {  	s3 =	simm.s32 @!p0 $0x1082;
	s9 =	sld [smem:$0x3FAE]  }
0x2f: {  	lr =	sadd.s32 s0, s3;
	s0 =	sld [smem:$0x3FA5]  }
0x30: {  	s3 =	sld [smem:$0x3FA8]  }
0x31: {  	[smem:$0x3FB1] =	sst s10  }
0x32: {  	s10 =	sld [smem:$0x3FAF];
	_ =	sdelay $0x3  }
0x33: {  	p0 =	seq.s32 s10, $0x1;
	s10 =	sld [smem:$0x3FB1];
	_ =	sdelay $0x3  }
0x34: {  	[smem:$0x3FB1] =	sst s10  }
0x35: {  	s10 =	sld [smem:$0x3FB0];
	_ =	sdelay $0x3  }
0x36: {  	p1 =	seq.s32 s10, $0x1;
	s10 =	sld [smem:$0x3FB1];
	_ =	sdelay $0x3  }
0x37: {  	[smem:$0x3FB1] =	sst s10  }
0x38: {  	s10 =	sld [smem:$0x3FB2]  }
0x39: {  	_ = 	snop;
	(pc) =	sbr.ind lr, $3  }
0x3a: {  	_ = 	snop  }
0x3b: {  	_ = 	snop  }
0x3c: {  	p2 =	seq.s32 s10, $0x1;
	s10 =	sld [smem:$0x3FB1]  }
0x3d: {  	_ =	shalt  }
0x3e: {  	_ =	shalt  }
0x3f: {  	_ =	shalt  }
0x40: {  	_ =	shalt  }
0x41: {  	_ =	shalt  }
0x42: {  	_ =	shalt  }
0x43: {  	_ =	shalt  }
0x44: {  	_ =	shalt  }
0x45: {  	_ =	shalt  }
0x46: {  	_ =	shalt  }
0x47: {  	_ =	shalt  }
0x48: {  	_ =	shalt  }
0x49: {  	_ =	shalt  }
0x4a: {  	_ =	shalt  }
0x4b: {  	_ =	shalt  }
0x4c: {  	_ =	shalt  }
0x4d: {  	_ =	shalt  }
0x4e: {  	_ =	shalt  }
0x4f: {  	_ =	shalt  }
0x50: {  	_ =	shalt  }
0x51: {  	_ =	shalt  }
0x52: {  	_ =	shalt  }
0x53: {  	_ =	shalt  }
0x54: {  	_ =	shalt  }
0x55: {  	_ =	shalt  }
0x56: {  	_ =	shalt  }
0x57: {  	_ =	shalt  }
0x58: {  	_ =	shalt  }
0x59: {  	_ =	shalt  }
0x5a: {  	_ =	shalt  }
0x5b: {  	_ =	shalt  }
0x5c: {  	_ =	shalt  }
0x5d: {  	_ =	shalt  }
0x5e: {  	_ =	shalt  }
0x5f: {  	_ =	shalt  }
0x60: {  	_ =	shalt  }
0x61: {  	_ =	shalt  }
0x62: {  	_ =	shalt  }
0x63: {  	_ =	shalt  }
0x64: {  	_ =	shalt  }
0x65: {  	_ =	shalt  }
0x66: {  	_ =	shalt  }
0x67: {  	_ =	shalt  }
0x68: {  	_ =	shalt  }
0x69: {  	_ =	shalt  }
0x6a: {  	_ =	shalt  }
0x6b: {  	_ =	shalt  }
0x6c: {  	_ =	shalt  }
0x6d: {  	_ =	shalt  }
0x6e: {  	_ =	shalt  }
0x6f: {  	_ =	shalt  }
0x70: {  	_ =	shalt  }
0x71: {  	_ =	shalt  }
0x72: {  	_ =	shalt  }
0x73: {  	_ =	shalt  }
0x74: {  	_ =	shalt  }
0x75: {  	_ =	shalt  }
0x76: {  	_ =	shalt  }
0x77: {  	_ =	shalt  }
0x78: {  	_ =	shalt  }
0x79: {  	_ =	shalt  }
0x7a: {  	_ =	shalt  }
0x7b: {  	_ =	shalt  }
0x7c: {  	_ =	shalt  }
0x7d: {  	_ =	shalt  }
0x7e: {  	_ =	shalt  }
0x7f: {  	_ =	shalt  }
0x80: {  	_ =	shalt  }
0x81: {  	_ =	shalt  }
0x82: {  	_ =	shalt  }
0x83: {  	_ =	shalt  }
0x84: {  	_ =	shalt  }
0x85: {  	_ =	shalt  }
0x86: {  	_ =	shalt  }
0x87: {  	_ =	shalt  }
.Lfunc_end0:
.L_simem_size_0:
called_computation_lowered:
.L_overlay_start_0:
0x88: {  	s2 =	sld [smem:$0x3FD9]  }
0x89: {  	s3 =	sld [smem:$0x3FFE];
	_ =	sdelay $0x1  }
0x8a: {  	s1 =	srdreg.scid  }
0x8b: {  	s0 =	sand.u32 $0x1, s1  }
0x8c: {  	s17 =	sshll.u32 s0, $0xA;
	s2 =	sadd.s32 s3, s2  }
0x8d: {  	s2 =	sadd.s32 s2, s17  }
0x8e: {  	[smem:$0x3FBD] =	sst s2  }
0x8f: {  	_ = 	snop  }
0x90: {  	s2 =	sld [smem:$0x3FC9];
	(tm) =	ssettm $0x1  }
0x91: {  	s18 =	sld [smem:$0x3FFB];
	_ =	sdelay $0x3  }
0x92: {  	_ =	strace s18  }
0x93: {  	s3 =	sld [smem:$0x3FFC];
	_ =	sdelay $0x3  }
0x94: {  	_ =	strace s3  }
0x95: {  	s3 =	sld [smem:$0x3FFD];
	_ =	sdelay $0x3  }
0x96: {  	_ =	strace s3  }
0x97: {  	_ =	strace $0x8FFFFFFF  }
0x98: {  	s19 =	sld [smem:$0x3FDB];
	_ =	sdelay $0x1  }
0x99: {  	s4 =	simm.s32 $_scs_section_size  }
0x9a: {  	s5 =	simm.s32 $_size__tile_overlayer_lowered;
	s6 =	simm.s32 $_tile_overlayer_lowered  }
0x9b: {  	s22 =	simm.s32 $0x1BFF;
	s21 =	sshll.u32 s6, $0x1;
	s3 =	sadd.s32 s4, s19  }
0x9c: {  	s7 =	simm.s32 $0x0;
	s20 =	sshll.u32 s5, $0x1;
	s5 =	sadd.s32 s21, s3  }
0x9d: {  	[timem:s7], [sflag:s22] =	dma.local [hbm:s5], s20  }
0x9e: {  	_ =	swait.ge [sflag:s22], s20  }
0x9f: {  	s4 =	ssub.s32 $0x0, s20;
	[sflag:s22] =	ssyncset.done $0x0  }
0xa0: {  	[sflag:s22] =	ssyncadd.s32 s4;
	_ =	sdelay $0x1  }
0xa1: {  	s23 =	simm.s32 $0x1B8B  }
0xa2: {  	_ =	swait.ge [sflag:s23], $0x1  }
0xa3: {  	[sflag:s23] =	ssyncset.done $0x0  }
0xa4: {  	s25 =	simm.s32 $0x1B8E;
	s24 =	sld [smem:$0x3FFE];
	[sflag:s23] =	ssyncadd.s32 $0xFFFFFFFF  }
0xa5: {  	s26 =	simm.s32 $execute0_lowered;
	[smem:$0x3FD2] =	sst s25  }
0xa6: {  	s5 =	sshll.u32 s26, $0x1;
	_ =	strace $0x80000046;
	[dreg:$0x1] =	wrdreg $0xFFFFFFFF  }
0xa7: {  	s28 =	simm.s32 $_size_execute0_lowered;
	s3 =	sadd.s32 s3, s5;
	[dreg:$0x0] =	wrdreg $0x0  }
0xa8: {  	s5 =	sshll.u32 s28, $0x1;
	[dreg:$0x2] =	wrdreg s3  }
0xa9: {  	[dreg:$0x3] =	wrdreg s5  }
0xaa: {  	[dreg:$0x4] =	wrdreg $0xC0  }
0xab: {  	_ =	task [dreg:s7], $0x5FFFF  }
0xac: {  	[dreg:$0x1] =	wrdreg $0xFFFFFFFF  }
0xad: {  	[dreg:$0x0] =	wrdreg $0x60  }
0xae: {  	[dreg:$0x2] =	wrdreg s2  }
0xaf: {  	[dreg:$0x3] =	wrdreg s24  }
0xb0: {  	[dreg:$0x4] =	wrdreg $0x0  }
0xb1: {  	[dreg:$0x5] =	wrdreg $0x9  }
0xb2: {  	_ =	task.clear_ibuf [dreg:s7], $0x6FFFF;
	_ =	strace $0x90000046  }
0xb3: {  	s29 =	simm.s32 $0x9;
	_ =	strace $0x80000048  }
0xb4: {  	_ =	swait.ge [sflag:s29], $0x1  }
0xb5: {  	[sflag:s29] =	ssyncadd.s32 $0xFFFFFFFF  }
0xb6: {  	_ =	strace $0x90000048  }
0xb7: {  	_ =	sfence  }
0xb8: {  	s30 =	sld [smem:$0x0];
	_ =	sdelay $0x2  }
0xb9: {  	s31 =	sshll.u32 s1, $0xD;
	s1 =	sshrl.u32 s1, $0x2  }
0xba: {  	s3 =	sand.u32 $0x4000, s31;
	s1 =	sadd.s32 s1, s30  }
0xbb: {  	s0 =	sor.u32 s3, s0;
	s1 =	sshll.u32 s1, $0x11  }
0xbc: {  	s0 =	sor.u32 s1, s0  }
0xbd: {  	s0 =	sadd.s32 $0x8F2B, s0  }
0xbe: {  	[sflag:s0] =	ssyncadd.remote.s32 $0x1  }
0xbf: {  	_ =	sfence.sel $0xFFFF  }
0xc0: {  	[dreg:$0x0] =	wrdreg $0xFFFFFFFF;
	(pc) =	sbr.abs _section_cstart, $3  }
0xc1: {  	[dreg:$0x1] =	wrdreg $0xFFFFFFFF  }
0xc2: {  	_ =	task.clear_ibuf [dreg:s7], $0x2FFFF;
	_ =	strace $0x9FFFFFFF  }
0xc3: {  	(tm) =	ssettm $0x7FFFFFFF  }
tec
execute0_lowered:
.L_overlay_start_1:
0x0: {  	(tag) =	ssettag $0x1  }
0x1: {  	s1 =	rddreg [dreg:$0x0]  }
0x2: {  	s6 =	rddreg [dreg:$0x1]  }
0x3: {  	s2 =	rddreg [dreg:$0x2]  }
0x4: {  	s3 =	srdreg.scid;
	s0 =	rddreg [dreg:$0x3]  }
0x5: {  	s4 =	simm.s32 $0x0;
	s13 =	simm.s32 $0x50;
	s14 =	simm.s32 $0x18000  }
0x6: {  	s15 =	simm.s32 $0x18200;
	s16 =	simm.s32 $0x18100;
	s17 =	simm.s32 $0x1AA00  }
0x7: {  	s18 =	simm.s32 $0x1;
	s19 =	simm.s32 $0x18080;
	s20 =	simm.s32 $0x2  }
0x8: {  	s21 =	simm.s32 $0x18180;
	s7 =	sand.u32 $0x1, s3;
	s3 =	stileid.u32  }
0x9: {  	s22 =	simm.s32 $0x0;
	[smem:$0x7FF] =	sst s4;
	s8 =	smul.u32 $0x140000, s7  }
0xa: {  	s5 =	sshll.u32 s3, $0xB;
	s9 =	smul.u32 $0x14000, s3;
	_ =	strace $0x80000047  }
0xb: {  	s28 =	ssub.s32 $0x2, s7;
	s12 =	smul.u32 $0x50000, s3;
	s29 =	sshll.u32 s7, $0xF  }
0xc: {  	s31 =	sshll.u32 s3, $0x6;
	s10 =	sadd.s32 s5, s6;
	s11 =	sshrl.u32 s28, $0x1  }
0xd: {  	s5 =	sadd.s32 $0x11200, s6;
	s8 =	sadd.s32 s9, s8;
	s9 =	ssub.s32 s28, s11  }
0xe: {  	s30 =	sshrl.u32 s12, $0x2;
	s10 =	sadd.s32 s29, s10;
	s11 =	simm.s32 $0x3  }
0xf: {  	s8 =	sshrl.u32 s8, $0x3;
	s12 =	sadd.s32 s30, s2;
	s7 =	sadd.s32 $0x1200, s10  }
0x10: {  	s9 =	smax.u32 s9, $0x1;
	s8 =	sadd.s32 s8, s6;
	s6 =	sor.u32 $0x1C03, s31  }
0x11: {  	s10 =	sshrl.u32 s12, $0x3;
	s12 =	simm.s32 $0x14000;
	s8 =	sadd.s32 $0x13A00, s8  }
.LBB2_1:
0x12: {  	[spmem:s10], [sflag:s6] =	dma.local [hbm:s5], $0x2800  }
0x13: {  	_ =	swait.ge [sflag:s11], $0x2800  }
0x14: {  	[sflag:s11] =	ssyncset.done $0x0  }
0x15: {  	[sflag:s11] =	ssyncadd.s32 $0xFFFFD800  }
0x16: {  	[tilespmem:s12], [sflag:$0x3] =	stream.linear.gather [hbm4b:s7+s4], $0x3E80, $0x38;
	[tilespmem:$0x1D200] =	vst v63  }
0x17: {  	_ =	swait.ge [sflag:s11], $0x3E80  }
0x18: {  	[sflag:s11] =	ssyncset.done $0x0  }
0x19: {  	[sflag:s11] =	ssyncadd.s32 $0xFFFFC180  }
0x1a: {  	[bflag:$0x0] =	sbarrier.arrive $0xFFFF  }
0x1b: {  	v0 =	vld [tilespmem:$0x14000];
	_ =	sdelay $0x1  }
0x1c: {  	v1 =	vld [tilespmem:$0x14010];
	_ =	sdelay $0x1  }
0x1d: {  	v2 =	vld [tilespmem:$0x14020]  }
0x1e: {  	v3 =	vand.u32 $0x3FFF, v0  }
0x1f: {  	v0 =	vshrl.u32 v0, $0xE;
	[tilespmem:$0x18000] =	vst v3;
	v3 =	vld [tilespmem:$0x14030]  }
0x20: {  	[tilespmem:$0x18080] =	vst v0;
	v0 =	vand.u32 $0x3FFF, v1  }
0x21: {  	[tilespmem:$0x18010] =	vst v0;
	v0 =	vshrl.u32 v1, $0xE;
	v1 =	vld [tilespmem:$0x14040]  }
0x22: {  	[tilespmem:$0x18090] =	vst v0;
	v0 =	vand.u32 $0x3FFF, v2  }
0x23: {  	[tilespmem:$0x18020] =	vst v0;
	v0 =	vshrl.u32 v2, $0xE  }
0x24: {  	[tilespmem:$0x180A0] =	vst v0;
	v0 =	vand.u32 $0x3FFF, v3  }
0x25: {  	[tilespmem:$0x18030] =	vst v0;
	v0 =	vshrl.u32 v3, $0xE  }
0x26: {  	[tilespmem:$0x180B0] =	vst v0;
	v0 =	vand.u32 $0x3FFF, v1  }
0x27: {  	[tilespmem:$0x18040] =	vst v0;
	v0 =	vshrl.u32 v1, $0xE  }
0x28: {  	s24 =	simm.s32 $0x0;
	[tilespmem:$0x180C0] =	vst v0  }
0x29: {  	[tilespmem:s15], [sflag:$0x1] =	stream.indirect.gather [hbm4b:s1+s13], $0x80, s14, s13, $0xb8;
	[tilespmem:$0x1D200] =	vst v63  }
0x2a: {  	v0 =	vld [tilespmem:s24+$0x14080];
	_ =	sdelay $0x4  }
0x2b: {  	v1 =	vand.u32 $0x3FFF, v0  }
0x2c: {  	v0 =	vshrl.u32 v0, $0xE;
	[tilespmem:$0x18100] =	vst v1  }
0x2d: {  	[tilespmem:$0x18180] =	vst v0  }
0x2e: {  	v0 =	vld [tilespmem:s24+$0x14090];
	_ =	sdelay $0x4  }
0x2f: {  	v1 =	vand.u32 $0x3FFF, v0  }
0x30: {  	v0 =	vshrl.u32 v0, $0xE;
	[tilespmem:$0x18110] =	vst v1  }
0x31: {  	[tilespmem:$0x18190] =	vst v0  }
0x32: {  	v0 =	vld [tilespmem:s24+$0x140A0];
	_ =	sdelay $0x4  }
0x33: {  	v1 =	vand.u32 $0x3FFF, v0  }
0x34: {  	v0 =	vshrl.u32 v0, $0xE;
	[tilespmem:$0x18120] =	vst v1  }
0x35: {  	[tilespmem:$0x181A0] =	vst v0  }
0x36: {  	v0 =	vld [tilespmem:s24+$0x140B0];
	_ =	sdelay $0x4  }
0x37: {  	v1 =	vand.u32 $0x3FFF, v0  }
0x38: {  	v0 =	vshrl.u32 v0, $0xE;
	[tilespmem:$0x18130] =	vst v1  }
0x39: {  	[tilespmem:$0x181B0] =	vst v0  }
0x3a: {  	v0 =	vld [tilespmem:s24+$0x140C0];
	_ =	sdelay $0x4  }
0x3b: {  	v1 =	vand.u32 $0x3FFF, v0  }
0x3c: {  	v0 =	vshrl.u32 v0, $0xE;
	[tilespmem:$0x18140] =	vst v1  }
0x3d: {  	[tilespmem:$0x181C0] =	vst v0  }
0x3e: {  	[tilespmem:s17], [sflag:$0x2] =	stream.indirect.gather [hbm4b:s1+s13], $0x80, s16, s13, $0xb8;
	[tilespmem:$0x1D200] =	vst v63  }
0x3f: {  	_ =	swait.ge [sflag:s18], $0x2800  }
0x40: {  	[sflag:s18] =	ssyncset.done $0x0  }
0x41: {  	[sflag:s18] =	ssyncadd.s32 $0xFFFFD800  }
0x42: {  	[spmem:s2] =	stream.indirect.scatter.add.f32 [tilespmem:s15], [sflag:$0x3], $0x80, s19, s13, $0xb8;
	[tilespmem:$0x1D200] =	vst v63  }
0x43: {  	_ =	swait.ge [sflag:s11], $0x2800  }
0x44: {  	[sflag:s11] =	ssyncset.done $0x0  }
0x45: {  	[sflag:s11] =	ssyncadd.s32 $0xFFFFD800  }
0x46: {  	v0 =	vld [tilespmem:s24+$0x14100];
	_ =	sdelay $0x4  }
0x47: {  	v1 =	vand.u32 $0x3FFF, v0  }
0x48: {  	v0 =	vshrl.u32 v0, $0xE;
	[tilespmem:$0x18000] =	vst v1  }
0x49: {  	[tilespmem:$0x18080] =	vst v0  }
0x4a: {  	v0 =	vld [tilespmem:s24+$0x14110];
	_ =	sdelay $0x4  }
0x4b: {  	v1 =	vand.u32 $0x3FFF, v0  }
0x4c: {  	v0 =	vshrl.u32 v0, $0xE;
	[tilespmem:$0x18010] =	vst v1  }
0x4d: {  	[tilespmem:$0x18090] =	vst v0  }
0x4e: {  	v0 =	vld [tilespmem:s24+$0x14120];
	_ =	sdelay $0x4  }
0x4f: {  	v1 =	vand.u32 $0x3FFF, v0  }
0x50: {  	v0 =	vshrl.u32 v0, $0xE;
	[tilespmem:$0x18020] =	vst v1  }
0x51: {  	[tilespmem:$0x180A0] =	vst v0  }
0x52: {  	v0 =	vld [tilespmem:s24+$0x14130];
	_ =	sdelay $0x4  }
0x53: {  	v1 =	vand.u32 $0x3FFF, v0  }
0x54: {  	v0 =	vshrl.u32 v0, $0xE;
	[tilespmem:$0x18030] =	vst v1  }
0x55: {  	[tilespmem:$0x180B0] =	vst v0  }
0x56: {  	s23 =	simm.s32 $0x400;
	v0 =	vld [tilespmem:s24+$0x14140]  }
.LBB2_2:
0x57: {  	_ =	sdelay $0x3  }
0x58: {  	p0 =	sne.s32 s23, $0xF400;
	s24 =	smov.u32 s23;
	s23 =	sadd.s32 $0x400, s23;
	v1 =	vand.u32 $0x3FFF, v0;
	v0 =	vshrl.u32 v0, $0xE  }
0x59: {  	[tilespmem:$0x18040] =	vst v1  }
0x5a: {  	[tilespmem:$0x180C0] =	vst v0  }
0x5b: {  	[tilespmem:s15], [sflag:$0x1] =	stream.indirect.gather [hbm4b:s1+s13], $0x80, s14, s13, $0xb8;
	[tilespmem:$0x1D200] =	vst v63  }
0x5c: {  	_ =	swait.ge [sflag:s20], $0x2800  }
0x5d: {  	[sflag:s20] =	ssyncset.done $0x0  }
0x5e: {  	[sflag:s20] =	ssyncadd.s32 $0xFFFFD800  }
0x5f: {  	[spmem:s2] =	stream.indirect.scatter.add.f32 [tilespmem:s17], [sflag:$0x3], $0x80, s21, s13, $0xb8;
	[tilespmem:$0x1D200] =	vst v63  }
0x60: {  	_ =	swait.ge [sflag:s11], $0x2800  }
0x61: {  	[sflag:s11] =	ssyncset.done $0x0  }
0x62: {  	s24 =	sshra.s32 s24, $0x2;
	[sflag:s11] =	ssyncadd.s32 $0xFFFFD800  }
0x63: {  	v0 =	vld [tilespmem:s24+$0x14080];
	_ =	sdelay $0x4  }
0x64: {  	v1 =	vand.u32 $0x3FFF, v0;
	v0 =	vshrl.u32 v0, $0xE  }
0x65: {  	[tilespmem:$0x18100] =	vst v1  }
0x66: {  	[tilespmem:$0x18180] =	vst v0  }
0x67: {  	v0 =	vld [tilespmem:s24+$0x14090];
	_ =	sdelay $0x4  }
0x68: {  	v1 =	vand.u32 $0x3FFF, v0;
	v0 =	vshrl.u32 v0, $0xE  }
0x69: {  	[tilespmem:$0x18110] =	vst v1  }
0x6a: {  	[tilespmem:$0x18190] =	vst v0  }
0x6b: {  	v0 =	vld [tilespmem:s24+$0x140A0];
	_ =	sdelay $0x4  }
0x6c: {  	v1 =	vand.u32 $0x3FFF, v0;
	v0 =	vshrl.u32 v0, $0xE  }
0x6d: {  	[tilespmem:$0x18120] =	vst v1  }
0x6e: {  	[tilespmem:$0x181A0] =	vst v0  }
0x6f: {  	v0 =	vld [tilespmem:s24+$0x140B0];
	_ =	sdelay $0x4  }
0x70: {  	v1 =	vand.u32 $0x3FFF, v0;
	v0 =	vshrl.u32 v0, $0xE  }
0x71: {  	[tilespmem:$0x18130] =	vst v1  }
0x72: {  	[tilespmem:$0x181B0] =	vst v0  }
0x73: {  	v0 =	vld [tilespmem:s24+$0x140C0];
	_ =	sdelay $0x4  }
0x74: {  	v1 =	vand.u32 $0x3FFF, v0;
	v0 =	vshrl.u32 v0, $0xE  }
0x75: {  	[tilespmem:$0x18140] =	vst v1  }
0x76: {  	[tilespmem:$0x181C0] =	vst v0  }
0x77: {  	[tilespmem:s17], [sflag:$0x2] =	stream.indirect.gather [hbm4b:s1+s13], $0x80, s16, s13, $0xb8;
	[tilespmem:$0x1D200] =	vst v63  }
0x78: {  	_ =	swait.ge [sflag:s18], $0x2800  }
0x79: {  	[sflag:s18] =	ssyncset.done $0x0  }
0x7a: {  	[sflag:s18] =	ssyncadd.s32 $0xFFFFD800  }
0x7b: {  	[spmem:s2] =	stream.indirect.scatter.add.f32 [tilespmem:s15], [sflag:$0x3], $0x80, s19, s13, $0xb8;
	[tilespmem:$0x1D200] =	vst v63  }
0x7c: {  	_ =	swait.ge [sflag:s11], $0x2800  }
0x7d: {  	[sflag:s11] =	ssyncset.done $0x0  }
0x7e: {  	[sflag:s11] =	ssyncadd.s32 $0xFFFFD800  }
0x7f: {  	v0 =	vld [tilespmem:s24+$0x14100];
	_ =	sdelay $0x4  }
0x80: {  	v1 =	vand.u32 $0x3FFF, v0;
	v0 =	vshrl.u32 v0, $0xE  }
0x81: {  	[tilespmem:$0x18000] =	vst v1  }
0x82: {  	[tilespmem:$0x18080] =	vst v0  }
0x83: {  	v0 =	vld [tilespmem:s24+$0x14110];
	_ =	sdelay $0x4  }
0x84: {  	v1 =	vand.u32 $0x3FFF, v0;
	v0 =	vshrl.u32 v0, $0xE  }
0x85: {  	[tilespmem:$0x18010] =	vst v1  }
0x86: {  	[tilespmem:$0x18090] =	vst v0  }
0x87: {  	v0 =	vld [tilespmem:s24+$0x14120];
	_ =	sdelay $0x4  }
0x88: {  	v1 =	vand.u32 $0x3FFF, v0;
	v0 =	vshrl.u32 v0, $0xE  }
0x89: {  	[tilespmem:$0x18020] =	vst v1  }
0x8a: {  	[tilespmem:$0x180A0] =	vst v0  }
0x8b: {  	v0 =	vld [tilespmem:s24+$0x14130];
	_ =	sdelay $0x3  }
.Ltmp0:
0x8c: {  	(pc) =	sbr.rel @p0 .LBB2_2-.Ltmp0, $4  }
0x8d: {  	v1 =	vand.u32 $0x3FFF, v0;
	v0 =	vshrl.u32 v0, $0xE  }
0x8e: {  	[tilespmem:$0x18030] =	vst v1  }
0x8f: {  	[tilespmem:$0x180B0] =	vst v0  }
0x90: {  	v0 =	vld [tilespmem:s24+$0x14140]  }
0x91: {  	_ =	sdelay $0x3  }
0x92: {  	v1 =	vand.u32 $0x3FFF, v0  }
0x93: {  	v63 =	vshrl.u32 v0, $0xE;
	[tilespmem:$0x18040] =	vst v1  }
0x94: {  	[tilespmem:$0x180C0] =	vst v63  }
0x95: {  	[tilespmem:s15], [sflag:$0x1] =	stream.indirect.gather [hbm4b:s1+s13], $0x80, s14, s13, $0xb8;
	[tilespmem:$0x1D200] =	vst v63  }
0x96: {  	_ =	swait.ge [sflag:s20], $0x2800  }
0x97: {  	[sflag:s20] =	ssyncset.done $0x0  }
0x98: {  	[sflag:s20] =	ssyncadd.s32 $0xFFFFD800  }
0x99: {  	[spmem:s2] =	stream.indirect.scatter.add.f32 [tilespmem:s17], [sflag:$0x3], $0x80, s21, s13, $0xb8;
	[tilespmem:$0x1D200] =	vst v63  }
0x9a: {  	_ =	swait.ge [sflag:s11], $0x2800  }
0x9b: {  	[sflag:s11] =	ssyncset.done $0x0  }
0x9c: {  	[sflag:s11] =	ssyncadd.s32 $0xFFFFD800  }
0x9d: {  	_ =	swait.ge [sflag:s18], $0x2800  }
0x9e: {  	[sflag:s18] =	ssyncset.done $0x0  }
0x9f: {  	[sflag:s18] =	ssyncadd.s32 $0xFFFFD800  }
0xa0: {  	[spmem:s2] =	stream.indirect.scatter.add.f32 [tilespmem:s15], [sflag:$0x3], $0x80, s19, s13, $0xb8;
	[tilespmem:$0x1D200] =	vst v63  }
0xa1: {  	_ =	swait.ge [sflag:s11], $0x2800  }
0xa2: {  	s22 =	sadd.s32 $0x1, s22;
	[sflag:s11] =	ssyncset.done $0x0  }
0xa3: {  	p0 =	sne.s32 s22, s9;
	[sflag:s11] =	ssyncadd.s32 $0xFFFFD800  }
.Ltmp1:
0xa4: {  	[bflag:$0x0] =	sbarrier.arrive $0xFFFF;
	(pc) =	sbr.rel @p0 .LBB2_1-.Ltmp1, $4  }
0xa5: {  	[hbm:s8], [sflag:s6] =	dma.local [spmem:s10], $0x2800  }
0xa6: {  	_ =	swait.ge [sflag:s11], $0x2800  }
0xa7: {  	[sflag:s11] =	ssyncset.done $0x0  }
0xa8: {  	[sflag:s11] =	ssyncadd.s32 $0xFFFFD800  }
0xa9: {  	_ =	sfence.sel $0x180000  }
0xaa: {  	[bflag:$0x0] =	sbarrier.arrive $0xFFFF  }
0xab: {  	p0 =	sne.s32 s3, $0x0;
	_ =	strace $0x90000047  }
0xac: {  	s0 =	sadd.s32 @!p0 $0x100000, s0;
	[bflag:$0x2] =	sbarrier.arrive $0xFFFF  }
0xad: {  	[sflag:s0] =	ssyncadd.tile.s32 @!p0 $0x1;
	_ =	shalt  }
.Lfunc_end2:
_tile_overlayer_lowered:
.L_overlay_start_2:
0xae: {  	(tag) =	ssettag $0x2  }
0xaf: {  	s0 =	rddreg [dreg:$0x0];
	s2 =	stileid.u32  }
0xb0: {  	s1 =	rddreg [dreg:$0x1];
	p0 =	sne.s32 s2, $0x0  }
0xb1: {  	s3 =	rddreg [dreg:$0x2];
	[bflag:$0x3] =	sbarrier.arrive $0xFFFF;
	s2 =	simm.s32 @!p0 $0x1C03  }
0xb2: {  	[timem:s3], [sflag:s2] =	dma.local @!p0 [hbm:s0], s1  }
0xb3: {  	s0 =	simm.s32 @!p0 $0x3  }
0xb4: {  	_ =	swait.ge @!p0 [sflag:s0], s1  }
0xb5: {  	s1 =	ssub.s32 @!p0 $0x0, s1;
	[sflag:s0] =	ssyncset.done @!p0 $0x0  }
0xb6: {  	[sflag:s0] =	ssyncadd.s32 @!p0 s1  }
0xb7: {  	[bflag:$0x3] =	sbarrier.arrive $0xFFFF  }
0xb8: {  	_ =	shalt  }

</sc_bundles>
